<compile_context>
chip_gen: v7x
topology: tpu7x:2x2x1
jax: 0.10.2.dev20260603
libtpu: 0.0.44.dev20260713+nightly
codegen_flags: <defaults>
</compile_context>

<pallas_src>
import functools

import jax
import jax.numpy as jnp
from jax import lax
from jax.experimental import pallas as pl
from jax.experimental.pallas import tpu as pltpu
from jax.experimental.pallas import tpu_sc as plsc

B = 4096
L = 200
C = 64
LT = L // 8
NCH = L // 2

_info = plsc.get_sparse_core_info()
NC = _info.num_cores
NS = _info.num_subcores
NW = NC * NS
NBB = B // NW


def _body(xt_hbm, w_hbm, out_hbm, idx_v, rows_v, outc_v, gsem, osem):
    wid = lax.axis_index("s") * NC + lax.axis_index("c")

    iota = lax.iota(jnp.int32, 16)
    cidx = [iota + cb * 16 for cb in range(4)]

    def start_gather(slot, ch):
        pltpu.async_copy(w_hbm.at[idx_v.at[ch]], rows_v.at[slot],
                         gsem.at[slot])

    def wait_gather(slot):
        pltpu.make_async_copy(w_hbm.at[idx_v.at[0]], rows_v.at[slot],
                              gsem.at[slot]).wait()

    def start_out(o, t):
        pltpu.async_copy(outc_v.at[o, :, pl.ds(0, 4 * NBB)],
                         out_hbm.at[:, t, wid, pl.ds(4 * NBB * o, 4 * NBB)],
                         osem.at[o])

    def wait_out(o):
        pltpu.make_async_copy(outc_v.at[o, :, pl.ds(0, 4 * NBB)],
                              out_hbm.at[:, 0, 0, pl.ds(0, 4 * NBB)],
                              osem.at[o]).wait()

    def transpose_chunk(slot, o, qls):
        @plsc.parallel_loop(0, 2 * NBB, 1, unroll=4)
        def _(r):
            jv = jnp.full((16,), qls * NBB + r, dtype=jnp.int32)
            for cb in range(4):
                v = rows_v[slot, r, pl.ds(cb * 16, 16)]
                plsc.store_scatter(outc_v.at[o], [cidx[cb], jv], v)

    pltpu.sync_copy(xt_hbm.at[:, wid], idx_v)
    start_gather(0, 0)
    start_gather(1, 1)

    def per_tile_row(t, carry):
        ch = 4 * t
        for q in range(4):
            s = q % 2
            o = q // 2
            wait_gather(s)
            if q % 2 == 0:
                @pl.when(t > 0)
                def _():
                    wait_out(o)
            transpose_chunk(s, o, 2 * (q % 2))
            if q < 2:
                @pl.when(ch + q + 2 < NCH)
                def _():
                    start_gather(s, ch + q + 2)
            else:
                @pl.when(t < LT - 1)
                def _():
                    start_gather(s, ch + q + 2)
            if q % 2 == 1:
                start_out(o, t)
        return carry

    lax.fori_loop(0, LT, per_tile_row, 0)
    wait_out(0)
    wait_out(1)


@functools.partial(jax.jit, static_argnames=())
def _sc_embed(xt, w):
    mesh = plsc.VectorSubcoreMesh(core_axis_name="c", subcore_axis_name="s")
    f = pl.kernel(
        _body,
        mesh=mesh,
        out_type=jax.ShapeDtypeStruct((C, LT, NW, 8 * NBB), jnp.float32),
        scratch_types=[
            pltpu.VMEM((NCH, 2 * NBB), jnp.int32),
            pltpu.VMEM((2, 2 * NBB, C), jnp.float32),
            pltpu.VMEM((2, C, 4 * NBB + 1), jnp.float32),
            pltpu.SemaphoreType.DMA((2,)),
            pltpu.SemaphoreType.DMA((2,)),
        ],
        compiler_params=pltpu.CompilerParams(
            needs_layout_passes=False, use_tc_tiling_on_sc=False),
    )
    return f(xt, w)


def kernel(x, W):
    xt = (jnp.transpose(x).astype(jnp.int32)
          .reshape(NCH, 2, NW, NBB).transpose(0, 2, 1, 3)
          .reshape(NCH, NW, 2 * NBB))
    res = _sc_embed(xt, W).reshape(C, LT, NW, 8, NBB)
    return res.transpose(2, 4, 0, 1, 3).reshape(B, C, L)

# --- scband reference (transcript-rebuilt; emitter-appended) ---
"""Pipeline reference for scband-diagonal-embedding-61942018343416 (READ-ONLY COPY).

The authoritative reference and input builder live on the scoring server;
editing this copy changes nothing except your own understanding.
"""

import jax, jax.numpy as jnp
import numpy as np

VOCAB = 1000000
EMBED = 64
B = 4096
L = 200

def setup_inputs(seed: int = 0) -> dict:
    key = jax.random.key(seed)
    k1, k2 = jax.random.split(key)
    x = jax.random.randint(k1, (B, L), 0, VOCAB, dtype=jnp.int64 if jax.config.jax_enable_x64 else jnp.int32)
    # nn.Embedding default init: N(0, 1)
    W = jax.random.normal(k2, (VOCAB, EMBED), dtype=jnp.float32)
    return {"x": x, "W": W}

def reference(x, W):
    # DiagonalEmbedding.forward with reverse=False, fft=False:
    # outp = self.input(x).permute(0, 2, 1)  -> [B, C, L]
    emb = jnp.take(W, x, axis=0)            # [B, L, C]
    outp = jnp.transpose(emb, (0, 2, 1))    # [B, C, L]
    return outp

if __name__ == "__main__":
    import jax
    _d = setup_inputs()
    print(jax.jit(kernel)(*tuple(_d.values())))

</pallas_src>

<mosaic_0001>
#map = affine_map<(d0, d1) -> (0, 0, 0)>
#map1 = affine_map<(d0, d1) -> (0, 0)>
#map2 = affine_map<(d0, d1) -> (0, 0, 0, 0)>
module attributes {stable_mosaic.version = 14 : i64} {
  func.func @_body(%arg0: i32, %arg1: i32, %arg2: memref<100x32x256xi32, #tpu.memory_space<hbm>>, %arg3: memref<1000000x64xf32, #tpu.memory_space<hbm>>, %arg4: memref<64x25x32x1024xf32, #tpu.memory_space<hbm>>, %arg5: memref<100x256xi32, #tpu.memory_space<vmem>>, %arg6: memref<2x256x64xf32, #tpu.memory_space<vmem>>, %arg7: memref<2x64x513xf32, #tpu.memory_space<vmem>>, %arg8: memref<2x!tpu.dma_semaphore, #tpu.memory_space<semaphore_mem>>, %arg9: memref<2x!tpu.dma_semaphore, #tpu.memory_space<semaphore_mem>>) attributes {dimension_semantics = [#tpu.dimension_semantics<core_parallel>, #tpu.dimension_semantics<subcore_parallel>], iteration_bounds = array<i64: 2, 16>, scalar_prefetch = 0 : i64, scratch_operands = 5 : i64, tpu.core_type = #tpu.core_type<sc_vector_subcore>, window_params = [{transform_indices = #map}, {transform_indices = #map1}, {transform_indices = #map2}]} {
    %mul3A = arith.constant 2 : i32
    %mul3A_0 = arith.muli %arg1, %mul3A : i32
    %add3A = arith.addi %mul3A_0, %arg0 : i32
    %iota3A = tpu.iota {dimensions = array<i32: 0>} : vector<16xi32>
    %add3A_1 = arith.constant 0 : i32
    %add3A_2 = vector.broadcast %add3A_1 : i32 to vector<16xi32>
    %add3A_3 = arith.addi %iota3A, %add3A_2 : vector<16xi32>
    %add3A_4 = arith.constant 16 : i32
    %add3A_5 = vector.broadcast %add3A_4 : i32 to vector<16xi32>
    %add3A_6 = arith.addi %iota3A, %add3A_5 : vector<16xi32>
    %add3A_7 = arith.constant 32 : i32
    %add3A_8 = vector.broadcast %add3A_7 : i32 to vector<16xi32>
    %add3A_9 = arith.addi %iota3A, %add3A_8 : vector<16xi32>
    %add3A_10 = arith.constant 48 : i32
    %add3A_11 = vector.broadcast %add3A_10 : i32 to vector<16xi32>
    %add3A_12 = arith.addi %iota3A, %add3A_11 : vector<16xi32>
    "tpu.region"() ({
      %run_scoped3A = tpu.sem_alloc : memref<!tpu.dma_semaphore, #tpu.memory_space<semaphore_mem>>
      %dma_start3A_90 = arith.constant 0 : i32
      %dma_start3A_91 = arith.constant 0 : i32
      %dma_start3A_92 = tpu.memref_slice %arg2[%dma_start3A_90, %add3A, %dma_start3A_91] : memref<100x32x256xi32, #tpu.memory_space<hbm>> -> memref<100x1x256xi32, #tpu.memory_space<hbm>>
      %dma_start3A_93 = tpu.memref_squeeze %dma_start3A_92 : memref<100x1x256xi32, #tpu.memory_space<hbm>> -> memref<100x256xi32, #tpu.memory_space<hbm>>
      %dma_start3A_94 = arith.constant 0 : i32
      %dma_start3A_95 = arith.constant 0 : i32
      %dma_start3A_96 = tpu.memref_slice %arg2[%dma_start3A_94, %add3A, %dma_start3A_95] : memref<100x32x256xi32, #tpu.memory_space<hbm>> -> memref<100x1x256xi32, #tpu.memory_space<hbm>>
      %dma_start3A_97 = tpu.memref_squeeze %dma_start3A_96 : memref<100x1x256xi32, #tpu.memory_space<hbm>> -> memref<100x256xi32, #tpu.memory_space<hbm>>
      tpu.enqueue_dma source(%dma_start3A_97 : memref<100x256xi32, #tpu.memory_space<hbm>>) target(%arg5 : memref<100x256xi32, #tpu.memory_space<vmem>>) target_semaphore(%run_scoped3A : memref<!tpu.dma_semaphore, #tpu.memory_space<semaphore_mem>>)
      %dma_wait3A_98 = arith.constant 0 : i32
      %dma_wait3A_99 = arith.constant 0 : i32
      %dma_wait3A_100 = tpu.memref_slice %arg2[%dma_wait3A_98, %add3A, %dma_wait3A_99] : memref<100x32x256xi32, #tpu.memory_space<hbm>> -> memref<100x1x256xi32, #tpu.memory_space<hbm>>
      %dma_wait3A_101 = tpu.memref_squeeze %dma_wait3A_100 : memref<100x1x256xi32, #tpu.memory_space<hbm>> -> memref<100x256xi32, #tpu.memory_space<hbm>>
      %dma_wait3A_102 = arith.constant 0 : i32
      %dma_wait3A_103 = arith.constant 0 : i32
      %dma_wait3A_104 = tpu.memref_slice %arg2[%dma_wait3A_102, %add3A, %dma_wait3A_103] : memref<100x32x256xi32, #tpu.memory_space<hbm>> -> memref<100x1x256xi32, #tpu.memory_space<hbm>>
      %dma_wait3A_105 = tpu.memref_squeeze %dma_wait3A_104 : memref<100x1x256xi32, #tpu.memory_space<hbm>> -> memref<100x256xi32, #tpu.memory_space<hbm>>
      tpu.wait_dma2 semaphore(%run_scoped3A : memref<!tpu.dma_semaphore, #tpu.memory_space<semaphore_mem>>) src(%dma_wait3A_105 : memref<100x256xi32, #tpu.memory_space<hbm>>) dst(%arg5 : memref<100x256xi32, #tpu.memory_space<vmem>>)
      tpu.yield
    }) : () -> ()
    %dma_start3A = arith.constant 0 : i32
    %dma_start3A_13 = arith.constant 0 : i32
    %dma_start3A_14 = arith.constant 0 : i32
    %dma_start3A_15 = arith.constant 0 : i32
    %dma_start3A_16 = arith.constant 0 : i32
    %dma_start3A_17 = tpu.memref_slice %arg6[%dma_start3A_13, %dma_start3A_15, %dma_start3A_16] : memref<2x256x64xf32, #tpu.memory_space<vmem>> -> memref<1x256x64xf32, #tpu.memory_space<vmem>>
    %dma_start3A_18 = tpu.memref_squeeze %dma_start3A_17 : memref<1x256x64xf32, #tpu.memory_space<vmem>> -> memref<256x64xf32, #tpu.memory_space<vmem>>
    %dma_start3A_19 = arith.constant 0 : i32
    %dma_start3A_20 = tpu.memref_slice %arg5[%dma_start3A, %dma_start3A_19] : memref<100x256xi32, #tpu.memory_space<vmem>> -> memref<1x256xi32, #tpu.memory_space<vmem>>
    %dma_start3A_21 = tpu.memref_squeeze %dma_start3A_20 : memref<1x256xi32, #tpu.memory_space<vmem>> -> memref<256xi32, #tpu.memory_space<vmem>>
    %dma_start3A_22 = arith.constant 0 : i32
    %dma_start3A_23 = arith.constant 0 : i32
    %dma_start3A_24 = tpu.memref_slice %arg3[%dma_start3A_22, %dma_start3A_23] : memref<1000000x64xf32, #tpu.memory_space<hbm>> -> memref<1000000x64xf32, #tpu.memory_space<hbm>>
    %dma_start3A_25 = tpu.memref_slice %arg8[%dma_start3A_14] : memref<2x!tpu.dma_semaphore, #tpu.memory_space<semaphore_mem>> -> memref<1x!tpu.dma_semaphore, #tpu.memory_space<semaphore_mem>>
    %dma_start3A_26 = tpu.memref_squeeze %dma_start3A_25 : memref<1x!tpu.dma_semaphore, #tpu.memory_space<semaphore_mem>> -> memref<!tpu.dma_semaphore, #tpu.memory_space<semaphore_mem>>
    tpu.enqueue_indirect_dma source(%dma_start3A_24 : memref<1000000x64xf32, #tpu.memory_space<hbm>>) target(%dma_start3A_18 : memref<256x64xf32, #tpu.memory_space<vmem>>) offsets(%dma_start3A_21 : memref<256xi32, #tpu.memory_space<vmem>>) semaphore(%dma_start3A_26 : memref<!tpu.dma_semaphore, #tpu.memory_space<semaphore_mem>>)
    %dma_start3A_27 = arith.constant 1 : i32
    %dma_start3A_28 = arith.constant 1 : i32
    %dma_start3A_29 = arith.constant 1 : i32
    %dma_start3A_30 = arith.constant 0 : i32
    %dma_start3A_31 = arith.constant 0 : i32
    %dma_start3A_32 = tpu.memref_slice %arg6[%dma_start3A_28, %dma_start3A_30, %dma_start3A_31] : memref<2x256x64xf32, #tpu.memory_space<vmem>> -> memref<1x256x64xf32, #tpu.memory_space<vmem>>
    %dma_start3A_33 = tpu.memref_squeeze %dma_start3A_32 : memref<1x256x64xf32, #tpu.memory_space<vmem>> -> memref<256x64xf32, #tpu.memory_space<vmem>>
    %dma_start3A_34 = arith.constant 0 : i32
    %dma_start3A_35 = tpu.memref_slice %arg5[%dma_start3A_27, %dma_start3A_34] : memref<100x256xi32, #tpu.memory_space<vmem>> -> memref<1x256xi32, #tpu.memory_space<vmem>>
    %dma_start3A_36 = tpu.memref_squeeze %dma_start3A_35 : memref<1x256xi32, #tpu.memory_space<vmem>> -> memref<256xi32, #tpu.memory_space<vmem>>
    %dma_start3A_37 = arith.constant 0 : i32
    %dma_start3A_38 = arith.constant 0 : i32
    %dma_start3A_39 = tpu.memref_slice %arg3[%dma_start3A_37, %dma_start3A_38] : memref<1000000x64xf32, #tpu.memory_space<hbm>> -> memref<1000000x64xf32, #tpu.memory_space<hbm>>
    %dma_start3A_40 = tpu.memref_slice %arg8[%dma_start3A_29] : memref<2x!tpu.dma_semaphore, #tpu.memory_space<semaphore_mem>> -> memref<1x!tpu.dma_semaphore, #tpu.memory_space<semaphore_mem>>
    %dma_start3A_41 = tpu.memref_squeeze %dma_start3A_40 : memref<1x!tpu.dma_semaphore, #tpu.memory_space<semaphore_mem>> -> memref<!tpu.dma_semaphore, #tpu.memory_space<semaphore_mem>>
    tpu.enqueue_indirect_dma source(%dma_start3A_39 : memref<1000000x64xf32, #tpu.memory_space<hbm>>) target(%dma_start3A_33 : memref<256x64xf32, #tpu.memory_space<vmem>>) offsets(%dma_start3A_36 : memref<256xi32, #tpu.memory_space<vmem>>) semaphore(%dma_start3A_41 : memref<!tpu.dma_semaphore, #tpu.memory_space<semaphore_mem>>)
    %scan3A = arith.constant 0 : i32
    %scan3A_42 = arith.constant 0 : i32
    %scan3A_43 = arith.constant 25 : i32
    %scan3A_44 = arith.addi %scan3A_42, %scan3A_43 : i32
    %scan3A_45 = arith.constant 1 : i32
    scf.for %scan3A_90 = %scan3A_42 to %scan3A_44 step %scan3A_45  : i32 {
      %mul3A_91 = arith.constant 4 : i32
      %mul3A_92 = arith.muli %mul3A_91, %scan3A_90 : i32
      %dma_wait3A_93 = arith.constant 0 : i32
      %dma_wait3A_94 = arith.constant 0 : i32
      %dma_wait3A_95 = arith.constant 0 : i32
      %dma_wait3A_96 = arith.constant 0 : i32
      %dma_wait3A_97 = arith.constant 0 : i32
      %dma_wait3A_98 = tpu.memref_slice %arg6[%dma_wait3A_94, %dma_wait3A_96, %dma_wait3A_97] : memref<2x256x64xf32, #tpu.memory_space<vmem>> -> memref<1x256x64xf32, #tpu.memory_space<vmem>>
      %dma_wait3A_99 = tpu.memref_squeeze %dma_wait3A_98 : memref<1x256x64xf32, #tpu.memory_space<vmem>> -> memref<256x64xf32, #tpu.memory_space<vmem>>
      %dma_wait3A_100 = arith.constant 0 : i32
      %dma_wait3A_101 = tpu.memref_slice %arg5[%dma_wait3A_93, %dma_wait3A_100] : memref<100x256xi32, #tpu.memory_space<vmem>> -> memref<1x256xi32, #tpu.memory_space<vmem>>
      %dma_wait3A_102 = tpu.memref_squeeze %dma_wait3A_101 : memref<1x256xi32, #tpu.memory_space<vmem>> -> memref<256xi32, #tpu.memory_space<vmem>>
      %dma_wait3A_103 = arith.constant 0 : i32
      %dma_wait3A_104 = arith.constant 0 : i32
      %dma_wait3A_105 = tpu.memref_slice %arg3[%dma_wait3A_103, %dma_wait3A_104] : memref<1000000x64xf32, #tpu.memory_space<hbm>> -> memref<1000000x64xf32, #tpu.memory_space<hbm>>
      %dma_wait3A_106 = tpu.memref_slice %arg8[%dma_wait3A_95] : memref<2x!tpu.dma_semaphore, #tpu.memory_space<semaphore_mem>> -> memref<1x!tpu.dma_semaphore, #tpu.memory_space<semaphore_mem>>
      %dma_wait3A_107 = tpu.memref_squeeze %dma_wait3A_106 : memref<1x!tpu.dma_semaphore, #tpu.memory_space<semaphore_mem>> -> memref<!tpu.dma_semaphore, #tpu.memory_space<semaphore_mem>>
      tpu.wait_indirect_dma semaphore(%dma_wait3A_107 : memref<!tpu.dma_semaphore, #tpu.memory_space<semaphore_mem>>) src(%dma_wait3A_105 : memref<1000000x64xf32, #tpu.memory_space<hbm>>) dst(%dma_wait3A_99 : memref<256x64xf32, #tpu.memory_space<vmem>>)
      %gt3A = arith.constant 0 : i32
      %gt3A_108 = arith.cmpi sgt, %scan3A_90, %gt3A : i32
      %convert_element_type3A = arith.extui %gt3A_108 : i1 to i32
      %cond3A = arith.constant 0 : i32
      %cond3A_109 = arith.cmpi ne, %convert_element_type3A, %cond3A : i32
      scf.if %cond3A_109 {
        %dma_wait3A_238 = arith.constant 0 : i32
        %dma_wait3A_239 = arith.constant 0 : i32
        %dma_wait3A_240 = arith.constant 0 : i32
        %dma_wait3A_241 = arith.constant 0 : i32
        %dma_wait3A_242 = arith.constant 0 : i32
        %dma_wait3A_243 = arith.constant 0 : i32
        %dma_wait3A_244 = tpu.memref_slice %arg7[%dma_wait3A_238, %dma_wait3A_242, %dma_wait3A_243] : memref<2x64x513xf32, #tpu.memory_space<vmem>> -> memref<1x64x512xf32, #tpu.memory_space<vmem>>
        %dma_wait3A_245 = tpu.memref_squeeze %dma_wait3A_244 : memref<1x64x512xf32, #tpu.memory_space<vmem>> -> memref<64x512xf32, #tpu.memory_space<vmem>>
        %dma_wait3A_246 = arith.constant 0 : i32
        %dma_wait3A_247 = arith.constant 0 : i32
        %dma_wait3A_248 = tpu.memref_slice %arg4[%dma_wait3A_246, %dma_wait3A_239, %dma_wait3A_240, %dma_wait3A_247] : memref<64x25x32x1024xf32, #tpu.memory_space<hbm>> -> memref<64x1x1x512xf32, #tpu.memory_space<hbm>>
        %dma_wait3A_249 = tpu.memref_squeeze %dma_wait3A_248 : memref<64x1x1x512xf32, #tpu.memory_space<hbm>> -> memref<64x512xf32, #tpu.memory_space<hbm>>
        %dma_wait3A_250 = tpu.memref_slice %arg9[%dma_wait3A_241] : memref<2x!tpu.dma_semaphore, #tpu.memory_space<semaphore_mem>> -> memref<1x!tpu.dma_semaphore, #tpu.memory_space<semaphore_mem>>
        %dma_wait3A_251 = tpu.memref_squeeze %dma_wait3A_250 : memref<1x!tpu.dma_semaphore, #tpu.memory_space<semaphore_mem>> -> memref<!tpu.dma_semaphore, #tpu.memory_space<semaphore_mem>>
        %dma_wait3A_252 = arith.constant 0 : i32
        %dma_wait3A_253 = arith.constant 0 : i32
        %dma_wait3A_254 = tpu.memref_slice %arg4[%dma_wait3A_252, %dma_wait3A_239, %dma_wait3A_240, %dma_wait3A_253] : memref<64x25x32x1024xf32, #tpu.memory_space<hbm>> -> memref<64x1x1x512xf32, #tpu.memory_space<hbm>>
        %dma_wait3A_255 = tpu.memref_squeeze %dma_wait3A_254 : memref<64x1x1x512xf32, #tpu.memory_space<hbm>> -> memref<64x512xf32, #tpu.memory_space<hbm>>
        %dma_wait3A_256 = arith.constant 0 : i32
        %dma_wait3A_257 = arith.constant 0 : i32
        %dma_wait3A_258 = tpu.memref_slice %arg7[%dma_wait3A_238, %dma_wait3A_256, %dma_wait3A_257] : memref<2x64x513xf32, #tpu.memory_space<vmem>> -> memref<1x64x512xf32, #tpu.memory_space<vmem>>
        %dma_wait3A_259 = tpu.memref_squeeze %dma_wait3A_258 : memref<1x64x512xf32, #tpu.memory_space<vmem>> -> memref<64x512xf32, #tpu.memory_space<vmem>>
        tpu.wait_dma2 semaphore(%dma_wait3A_251 : memref<!tpu.dma_semaphore, #tpu.memory_space<semaphore_mem>>) src(%dma_wait3A_259 : memref<64x512xf32, #tpu.memory_space<vmem>>) dst(%dma_wait3A_255 : memref<64x512xf32, #tpu.memory_space<hbm>>)
      } else {
      }
      %parallel_loop3A = arith.constant 0 : i32
      %parallel_loop3A_110 = arith.constant 256 : i32
      %parallel_loop3A_111 = arith.constant 1 : i32
      scf.for %parallel_loop3A_238 = %parallel_loop3A to %parallel_loop3A_110 step %parallel_loop3A_111  : i32 {
        %parallel_loop3A_239 = arith.constant 0 : i32
        %parallel_loop3A_240 = arith.addi %parallel_loop3A_239, %parallel_loop3A_238 : i32
        %parallel_loop3A_241 = vector.broadcast %parallel_loop3A_240 : i32 to vector<16xi32>
        %parallel_loop3A_242 = arith.constant 0 : i32
        %parallel_loop3A_243 = arith.index_cast %parallel_loop3A_242 : i32 to index
        %parallel_loop3A_244 = arith.index_cast %parallel_loop3A_238 : i32 to index
        %parallel_loop3A_245 = arith.constant 0 : index
        %parallel_loop3A_246 = tpu.vector_load %arg6[%parallel_loop3A_243, %parallel_loop3A_244, %parallel_loop3A_245] {strides = array<i32>} : memref<2x256x64xf32, #tpu.memory_space<vmem>>, vector<16xf32>,
        %parallel_loop3A_247 = arith.constant 0 : i32
        %parallel_loop3A_248 = arith.constant 0 : i32
        %parallel_loop3A_249 = arith.constant 0 : i32
        %parallel_loop3A_250 = tpu.memref_slice %arg7[%parallel_loop3A_247, %parallel_loop3A_248, %parallel_loop3A_249] : memref<2x64x513xf32, #tpu.memory_space<vmem>> -> memref<1x64x513xf32, #tpu.memory_space<vmem>>
        %parallel_loop3A_251 = tpu.memref_squeeze %parallel_loop3A_250 : memref<1x64x513xf32, #tpu.memory_space<vmem>> -> memref<64x513xf32, #tpu.memory_space<vmem>>
        tpu.vector_store_idx %parallel_loop3A_251[%add3A_3, %parallel_loop3A_241], %parallel_loop3A_246 : memref<64x513xf32, #tpu.memory_space<vmem>>[vector<16xi32>, vector<16xi32>], vector<16xf32>,
        %parallel_loop3A_252 = arith.constant 0 : i32
        %parallel_loop3A_253 = arith.index_cast %parallel_loop3A_252 : i32 to index
        %parallel_loop3A_254 = arith.index_cast %parallel_loop3A_238 : i32 to index
        %parallel_loop3A_255 = arith.constant 16 : index
        %parallel_loop3A_256 = tpu.vector_load %arg6[%parallel_loop3A_253, %parallel_loop3A_254, %parallel_loop3A_255] {strides = array<i32>} : memref<2x256x64xf32, #tpu.memory_space<vmem>>, vector<16xf32>,
        %parallel_loop3A_257 = arith.constant 0 : i32
        %parallel_loop3A_258 = arith.constant 0 : i32
        %parallel_loop3A_259 = arith.constant 0 : i32
        %parallel_loop3A_260 = tpu.memref_slice %arg7[%parallel_loop3A_257, %parallel_loop3A_258, %parallel_loop3A_259] : memref<2x64x513xf32, #tpu.memory_space<vmem>> -> memref<1x64x513xf32, #tpu.memory_space<vmem>>
        %parallel_loop3A_261 = tpu.memref_squeeze %parallel_loop3A_260 : memref<1x64x513xf32, #tpu.memory_space<vmem>> -> memref<64x513xf32, #tpu.memory_space<vmem>>
        tpu.vector_store_idx %parallel_loop3A_261[%add3A_6, %parallel_loop3A_241], %parallel_loop3A_256 : memref<64x513xf32, #tpu.memory_space<vmem>>[vector<16xi32>, vector<16xi32>], vector<16xf32>,
        %parallel_loop3A_262 = arith.constant 0 : i32
        %parallel_loop3A_263 = arith.index_cast %parallel_loop3A_262 : i32 to index
        %parallel_loop3A_264 = arith.index_cast %parallel_loop3A_238 : i32 to index
        %parallel_loop3A_265 = arith.constant 32 : index
        %parallel_loop3A_266 = tpu.vector_load %arg6[%parallel_loop3A_263, %parallel_loop3A_264, %parallel_loop3A_265] {strides = array<i32>} : memref<2x256x64xf32, #tpu.memory_space<vmem>>, vector<16xf32>,
        %parallel_loop3A_267 = arith.constant 0 : i32
        %parallel_loop3A_268 = arith.constant 0 : i32
        %parallel_loop3A_269 = arith.constant 0 : i32
        %parallel_loop3A_270 = tpu.memref_slice %arg7[%parallel_loop3A_267, %parallel_loop3A_268, %parallel_loop3A_269] : memref<2x64x513xf32, #tpu.memory_space<vmem>> -> memref<1x64x513xf32, #tpu.memory_space<vmem>>
        %parallel_loop3A_271 = tpu.memref_squeeze %parallel_loop3A_270 : memref<1x64x513xf32, #tpu.memory_space<vmem>> -> memref<64x513xf32, #tpu.memory_space<vmem>>
        tpu.vector_store_idx %parallel_loop3A_271[%add3A_9, %parallel_loop3A_241], %parallel_loop3A_266 : memref<64x513xf32, #tpu.memory_space<vmem>>[vector<16xi32>, vector<16xi32>], vector<16xf32>,
        %parallel_loop3A_272 = arith.constant 0 : i32
        %parallel_loop3A_273 = arith.index_cast %parallel_loop3A_272 : i32 to index
        %parallel_loop3A_274 = arith.index_cast %parallel_loop3A_238 : i32 to index
        %parallel_loop3A_275 = arith.constant 48 : index
        %parallel_loop3A_276 = tpu.vector_load %arg6[%parallel_loop3A_273, %parallel_loop3A_274, %parallel_loop3A_275] {strides = array<i32>} : memref<2x256x64xf32, #tpu.memory_space<vmem>>, vector<16xf32>,
        %parallel_loop3A_277 = arith.constant 0 : i32
        %parallel_loop3A_278 = arith.constant 0 : i32
        %parallel_loop3A_279 = arith.constant 0 : i32
        %parallel_loop3A_280 = tpu.memref_slice %arg7[%parallel_loop3A_277, %parallel_loop3A_278, %parallel_loop3A_279] : memref<2x64x513xf32, #tpu.memory_space<vmem>> -> memref<1x64x513xf32, #tpu.memory_space<vmem>>
        %parallel_loop3A_281 = tpu.memref_squeeze %parallel_loop3A_280 : memref<1x64x513xf32, #tpu.memory_space<vmem>> -> memref<64x513xf32, #tpu.memory_space<vmem>>
        tpu.vector_store_idx %parallel_loop3A_281[%add3A_12, %parallel_loop3A_241], %parallel_loop3A_276 : memref<64x513xf32, #tpu.memory_space<vmem>>[vector<16xi32>, vector<16xi32>], vector<16xf32>,
      } {sc.loop_unroll_factor = 4 : i64, sc.parallel_access}
      %add3A_112 = arith.constant 0 : i32
      %add3A_113 = arith.addi %mul3A_92, %add3A_112 : i32
      %add3A_114 = arith.constant 2 : i32
      %add3A_115 = arith.addi %add3A_113, %add3A_114 : i32
      %lt3A = arith.constant 100 : i32
      %lt3A_116 = arith.cmpi slt, %add3A_115, %lt3A : i32
      %convert_element_type3A_117 = arith.extui %lt3A_116 : i1 to i32
      %cond3A_118 = arith.constant 0 : i32
      %cond3A_119 = arith.cmpi ne, %convert_element_type3A_117, %cond3A_118 : i32
      scf.if %cond3A_119 {
        %add3A_238 = arith.constant 0 : i32
        %add3A_239 = arith.addi %mul3A_92, %add3A_238 : i32
        %add3A_240 = arith.constant 2 : i32
        %add3A_241 = arith.addi %add3A_239, %add3A_240 : i32
        %dma_start3A_242 = arith.constant 0 : i32
        %dma_start3A_243 = arith.constant 0 : i32
        %dma_start3A_244 = arith.constant 0 : i32
        %dma_start3A_245 = arith.constant 0 : i32
        %dma_start3A_246 = tpu.memref_slice %arg6[%dma_start3A_242, %dma_start3A_244, %dma_start3A_245] : memref<2x256x64xf32, #tpu.memory_space<vmem>> -> memref<1x256x64xf32, #tpu.memory_space<vmem>>
        %dma_start3A_247 = tpu.memref_squeeze %dma_start3A_246 : memref<1x256x64xf32, #tpu.memory_space<vmem>> -> memref<256x64xf32, #tpu.memory_space<vmem>>
        %dma_start3A_248 = arith.constant 0 : i32
        %dma_start3A_249 = tpu.memref_slice %arg5[%add3A_241, %dma_start3A_248] : memref<100x256xi32, #tpu.memory_space<vmem>> -> memref<1x256xi32, #tpu.memory_space<vmem>>
        %dma_start3A_250 = tpu.memref_squeeze %dma_start3A_249 : memref<1x256xi32, #tpu.memory_space<vmem>> -> memref<256xi32, #tpu.memory_space<vmem>>
        %dma_start3A_251 = arith.constant 0 : i32
        %dma_start3A_252 = arith.constant 0 : i32
        %dma_start3A_253 = tpu.memref_slice %arg3[%dma_start3A_251, %dma_start3A_252] : memref<1000000x64xf32, #tpu.memory_space<hbm>> -> memref<1000000x64xf32, #tpu.memory_space<hbm>>
        %dma_start3A_254 = tpu.memref_slice %arg8[%dma_start3A_243] : memref<2x!tpu.dma_semaphore, #tpu.memory_space<semaphore_mem>> -> memref<1x!tpu.dma_semaphore, #tpu.memory_space<semaphore_mem>>
        %dma_start3A_255 = tpu.memref_squeeze %dma_start3A_254 : memref<1x!tpu.dma_semaphore, #tpu.memory_space<semaphore_mem>> -> memref<!tpu.dma_semaphore, #tpu.memory_space<semaphore_mem>>
        tpu.enqueue_indirect_dma source(%dma_start3A_253 : memref<1000000x64xf32, #tpu.memory_space<hbm>>) target(%dma_start3A_247 : memref<256x64xf32, #tpu.memory_space<vmem>>) offsets(%dma_start3A_250 : memref<256xi32, #tpu.memory_space<vmem>>) semaphore(%dma_start3A_255 : memref<!tpu.dma_semaphore, #tpu.memory_space<semaphore_mem>>)
      } else {
      }
      %dma_wait3A_120 = arith.constant 0 : i32
      %dma_wait3A_121 = arith.constant 1 : i32
      %dma_wait3A_122 = arith.constant 1 : i32
      %dma_wait3A_123 = arith.constant 0 : i32
      %dma_wait3A_124 = arith.constant 0 : i32
      %dma_wait3A_125 = tpu.memref_slice %arg6[%dma_wait3A_121, %dma_wait3A_123, %dma_wait3A_124] : memref<2x256x64xf32, #tpu.memory_space<vmem>> -> memref<1x256x64xf32, #tpu.memory_space<vmem>>
      %dma_wait3A_126 = tpu.memref_squeeze %dma_wait3A_125 : memref<1x256x64xf32, #tpu.memory_space<vmem>> -> memref<256x64xf32, #tpu.memory_space<vmem>>
      %dma_wait3A_127 = arith.constant 0 : i32
      %dma_wait3A_128 = tpu.memref_slice %arg5[%dma_wait3A_120, %dma_wait3A_127] : memref<100x256xi32, #tpu.memory_space<vmem>> -> memref<1x256xi32, #tpu.memory_space<vmem>>
      %dma_wait3A_129 = tpu.memref_squeeze %dma_wait3A_128 : memref<1x256xi32, #tpu.memory_space<vmem>> -> memref<256xi32, #tpu.memory_space<vmem>>
      %dma_wait3A_130 = arith.constant 0 : i32
      %dma_wait3A_131 = arith.constant 0 : i32
      %dma_wait3A_132 = tpu.memref_slice %arg3[%dma_wait3A_130, %dma_wait3A_131] : memref<1000000x64xf32, #tpu.memory_space<hbm>> -> memref<1000000x64xf32, #tpu.memory_space<hbm>>
      %dma_wait3A_133 = tpu.memref_slice %arg8[%dma_wait3A_122] : memref<2x!tpu.dma_semaphore, #tpu.memory_space<semaphore_mem>> -> memref<1x!tpu.dma_semaphore, #tpu.memory_space<semaphore_mem>>
      %dma_wait3A_134 = tpu.memref_squeeze %dma_wait3A_133 : memref<1x!tpu.dma_semaphore, #tpu.memory_space<semaphore_mem>> -> memref<!tpu.dma_semaphore, #tpu.memory_space<semaphore_mem>>
      tpu.wait_indirect_dma semaphore(%dma_wait3A_134 : memref<!tpu.dma_semaphore, #tpu.memory_space<semaphore_mem>>) src(%dma_wait3A_132 : memref<1000000x64xf32, #tpu.memory_space<hbm>>) dst(%dma_wait3A_126 : memref<256x64xf32, #tpu.memory_space<vmem>>)
      %parallel_loop3A_135 = arith.constant 0 : i32
      %parallel_loop3A_136 = arith.constant 256 : i32
      %parallel_loop3A_137 = arith.constant 1 : i32
      scf.for %parallel_loop3A_238 = %parallel_loop3A_135 to %parallel_loop3A_136 step %parallel_loop3A_137  : i32 {
        %parallel_loop3A_239 = arith.constant 256 : i32
        %parallel_loop3A_240 = arith.addi %parallel_loop3A_239, %parallel_loop3A_238 : i32
        %parallel_loop3A_241 = vector.broadcast %parallel_loop3A_240 : i32 to vector<16xi32>
        %parallel_loop3A_242 = arith.constant 1 : i32
        %parallel_loop3A_243 = arith.index_cast %parallel_loop3A_242 : i32 to index
        %parallel_loop3A_244 = arith.index_cast %parallel_loop3A_238 : i32 to index
        %parallel_loop3A_245 = arith.constant 0 : index
        %parallel_loop3A_246 = tpu.vector_load %arg6[%parallel_loop3A_243, %parallel_loop3A_244, %parallel_loop3A_245] {strides = array<i32>} : memref<2x256x64xf32, #tpu.memory_space<vmem>>, vector<16xf32>,
        %parallel_loop3A_247 = arith.constant 0 : i32
        %parallel_loop3A_248 = arith.constant 0 : i32
        %parallel_loop3A_249 = arith.constant 0 : i32
        %parallel_loop3A_250 = tpu.memref_slice %arg7[%parallel_loop3A_247, %parallel_loop3A_248, %parallel_loop3A_249] : memref<2x64x513xf32, #tpu.memory_space<vmem>> -> memref<1x64x513xf32, #tpu.memory_space<vmem>>
        %parallel_loop3A_251 = tpu.memref_squeeze %parallel_loop3A_250 : memref<1x64x513xf32, #tpu.memory_space<vmem>> -> memref<64x513xf32, #tpu.memory_space<vmem>>
        tpu.vector_store_idx %parallel_loop3A_251[%add3A_3, %parallel_loop3A_241], %parallel_loop3A_246 : memref<64x513xf32, #tpu.memory_space<vmem>>[vector<16xi32>, vector<16xi32>], vector<16xf32>,
        %parallel_loop3A_252 = arith.constant 1 : i32
        %parallel_loop3A_253 = arith.index_cast %parallel_loop3A_252 : i32 to index
        %parallel_loop3A_254 = arith.index_cast %parallel_loop3A_238 : i32 to index
        %parallel_loop3A_255 = arith.constant 16 : index
        %parallel_loop3A_256 = tpu.vector_load %arg6[%parallel_loop3A_253, %parallel_loop3A_254, %parallel_loop3A_255] {strides = array<i32>} : memref<2x256x64xf32, #tpu.memory_space<vmem>>, vector<16xf32>,
        %parallel_loop3A_257 = arith.constant 0 : i32
        %parallel_loop3A_258 = arith.constant 0 : i32
        %parallel_loop3A_259 = arith.constant 0 : i32
        %parallel_loop3A_260 = tpu.memref_slice %arg7[%parallel_loop3A_257, %parallel_loop3A_258, %parallel_loop3A_259] : memref<2x64x513xf32, #tpu.memory_space<vmem>> -> memref<1x64x513xf32, #tpu.memory_space<vmem>>
        %parallel_loop3A_261 = tpu.memref_squeeze %parallel_loop3A_260 : memref<1x64x513xf32, #tpu.memory_space<vmem>> -> memref<64x513xf32, #tpu.memory_space<vmem>>
        tpu.vector_store_idx %parallel_loop3A_261[%add3A_6, %parallel_loop3A_241], %parallel_loop3A_256 : memref<64x513xf32, #tpu.memory_space<vmem>>[vector<16xi32>, vector<16xi32>], vector<16xf32>,
        %parallel_loop3A_262 = arith.constant 1 : i32
        %parallel_loop3A_263 = arith.index_cast %parallel_loop3A_262 : i32 to index
        %parallel_loop3A_264 = arith.index_cast %parallel_loop3A_238 : i32 to index
        %parallel_loop3A_265 = arith.constant 32 : index
        %parallel_loop3A_266 = tpu.vector_load %arg6[%parallel_loop3A_263, %parallel_loop3A_264, %parallel_loop3A_265] {strides = array<i32>} : memref<2x256x64xf32, #tpu.memory_space<vmem>>, vector<16xf32>,
        %parallel_loop3A_267 = arith.constant 0 : i32
        %parallel_loop3A_268 = arith.constant 0 : i32
        %parallel_loop3A_269 = arith.constant 0 : i32
        %parallel_loop3A_270 = tpu.memref_slice %arg7[%parallel_loop3A_267, %parallel_loop3A_268, %parallel_loop3A_269] : memref<2x64x513xf32, #tpu.memory_space<vmem>> -> memref<1x64x513xf32, #tpu.memory_space<vmem>>
        %parallel_loop3A_271 = tpu.memref_squeeze %parallel_loop3A_270 : memref<1x64x513xf32, #tpu.memory_space<vmem>> -> memref<64x513xf32, #tpu.memory_space<vmem>>
        tpu.vector_store_idx %parallel_loop3A_271[%add3A_9, %parallel_loop3A_241], %parallel_loop3A_266 : memref<64x513xf32, #tpu.memory_space<vmem>>[vector<16xi32>, vector<16xi32>], vector<16xf32>,
        %parallel_loop3A_272 = arith.constant 1 : i32
        %parallel_loop3A_273 = arith.index_cast %parallel_loop3A_272 : i32 to index
        %parallel_loop3A_274 = arith.index_cast %parallel_loop3A_238 : i32 to index
        %parallel_loop3A_275 = arith.constant 48 : index
        %parallel_loop3A_276 = tpu.vector_load %arg6[%parallel_loop3A_273, %parallel_loop3A_274, %parallel_loop3A_275] {strides = array<i32>} : memref<2x256x64xf32, #tpu.memory_space<vmem>>, vector<16xf32>,
        %parallel_loop3A_277 = arith.constant 0 : i32
        %parallel_loop3A_278 = arith.constant 0 : i32
        %parallel_loop3A_279 = arith.constant 0 : i32
        %parallel_loop3A_280 = tpu.memref_slice %arg7[%parallel_loop3A_277, %parallel_loop3A_278, %parallel_loop3A_279] : memref<2x64x513xf32, #tpu.memory_space<vmem>> -> memref<1x64x513xf32, #tpu.memory_space<vmem>>
        %parallel_loop3A_281 = tpu.memref_squeeze %parallel_loop3A_280 : memref<1x64x513xf32, #tpu.memory_space<vmem>> -> memref<64x513xf32, #tpu.memory_space<vmem>>
        tpu.vector_store_idx %parallel_loop3A_281[%add3A_12, %parallel_loop3A_241], %parallel_loop3A_276 : memref<64x513xf32, #tpu.memory_space<vmem>>[vector<16xi32>, vector<16xi32>], vector<16xf32>,
      } {sc.loop_unroll_factor = 4 : i64, sc.parallel_access}
      %add3A_138 = arith.constant 1 : i32
      %add3A_139 = arith.addi %mul3A_92, %add3A_138 : i32
      %add3A_140 = arith.constant 2 : i32
      %add3A_141 = arith.addi %add3A_139, %add3A_140 : i32
      %lt3A_142 = arith.constant 100 : i32
      %lt3A_143 = arith.cmpi slt, %add3A_141, %lt3A_142 : i32
      %convert_element_type3A_144 = arith.extui %lt3A_143 : i1 to i32
      %cond3A_145 = arith.constant 0 : i32
      %cond3A_146 = arith.cmpi ne, %convert_element_type3A_144, %cond3A_145 : i32
      scf.if %cond3A_146 {
        %add3A_238 = arith.constant 1 : i32
        %add3A_239 = arith.addi %mul3A_92, %add3A_238 : i32
        %add3A_240 = arith.constant 2 : i32
        %add3A_241 = arith.addi %add3A_239, %add3A_240 : i32
        %dma_start3A_242 = arith.constant 1 : i32
        %dma_start3A_243 = arith.constant 1 : i32
        %dma_start3A_244 = arith.constant 0 : i32
        %dma_start3A_245 = arith.constant 0 : i32
        %dma_start3A_246 = tpu.memref_slice %arg6[%dma_start3A_242, %dma_start3A_244, %dma_start3A_245] : memref<2x256x64xf32, #tpu.memory_space<vmem>> -> memref<1x256x64xf32, #tpu.memory_space<vmem>>
        %dma_start3A_247 = tpu.memref_squeeze %dma_start3A_246 : memref<1x256x64xf32, #tpu.memory_space<vmem>> -> memref<256x64xf32, #tpu.memory_space<vmem>>
        %dma_start3A_248 = arith.constant 0 : i32
        %dma_start3A_249 = tpu.memref_slice %arg5[%add3A_241, %dma_start3A_248] : memref<100x256xi32, #tpu.memory_space<vmem>> -> memref<1x256xi32, #tpu.memory_space<vmem>>
        %dma_start3A_250 = tpu.memref_squeeze %dma_start3A_249 : memref<1x256xi32, #tpu.memory_space<vmem>> -> memref<256xi32, #tpu.memory_space<vmem>>
        %dma_start3A_251 = arith.constant 0 : i32
        %dma_start3A_252 = arith.constant 0 : i32
        %dma_start3A_253 = tpu.memref_slice %arg3[%dma_start3A_251, %dma_start3A_252] : memref<1000000x64xf32, #tpu.memory_space<hbm>> -> memref<1000000x64xf32, #tpu.memory_space<hbm>>
        %dma_start3A_254 = tpu.memref_slice %arg8[%dma_start3A_243] : memref<2x!tpu.dma_semaphore, #tpu.memory_space<semaphore_mem>> -> memref<1x!tpu.dma_semaphore, #tpu.memory_space<semaphore_mem>>
        %dma_start3A_255 = tpu.memref_squeeze %dma_start3A_254 : memref<1x!tpu.dma_semaphore, #tpu.memory_space<semaphore_mem>> -> memref<!tpu.dma_semaphore, #tpu.memory_space<semaphore_mem>>
        tpu.enqueue_indirect_dma source(%dma_start3A_253 : memref<1000000x64xf32, #tpu.memory_space<hbm>>) target(%dma_start3A_247 : memref<256x64xf32, #tpu.memory_space<vmem>>) offsets(%dma_start3A_250 : memref<256xi32, #tpu.memory_space<vmem>>) semaphore(%dma_start3A_255 : memref<!tpu.dma_semaphore, #tpu.memory_space<semaphore_mem>>)
      } else {
      }
      %dma_start3A_147 = arith.constant 0 : i32
      %dma_start3A_148 = arith.constant 0 : i32
      %dma_start3A_149 = arith.constant 0 : i32
      %dma_start3A_150 = arith.constant 0 : i32
      %dma_start3A_151 = tpu.memref_slice %arg7[%dma_start3A_147, %dma_start3A_149, %dma_start3A_150] : memref<2x64x513xf32, #tpu.memory_space<vmem>> -> memref<1x64x512xf32, #tpu.memory_space<vmem>>
      %dma_start3A_152 = tpu.memref_squeeze %dma_start3A_151 : memref<1x64x512xf32, #tpu.memory_space<vmem>> -> memref<64x512xf32, #tpu.memory_space<vmem>>
      %dma_start3A_153 = arith.constant 0 : i32
      %dma_start3A_154 = arith.constant 0 : i32
      %dma_start3A_155 = tpu.memref_slice %arg4[%dma_start3A_153, %scan3A_90, %add3A, %dma_start3A_154] : memref<64x25x32x1024xf32, #tpu.memory_space<hbm>> -> memref<64x1x1x512xf32, #tpu.memory_space<hbm>>
      %dma_start3A_156 = tpu.memref_squeeze %dma_start3A_155 : memref<64x1x1x512xf32, #tpu.memory_space<hbm>> -> memref<64x512xf32, #tpu.memory_space<hbm>>
      %dma_start3A_157 = tpu.memref_slice %arg9[%dma_start3A_148] : memref<2x!tpu.dma_semaphore, #tpu.memory_space<semaphore_mem>> -> memref<1x!tpu.dma_semaphore, #tpu.memory_space<semaphore_mem>>
      %dma_start3A_158 = tpu.memref_squeeze %dma_start3A_157 : memref<1x!tpu.dma_semaphore, #tpu.memory_space<semaphore_mem>> -> memref<!tpu.dma_semaphore, #tpu.memory_space<semaphore_mem>>
      %dma_start3A_159 = arith.constant 0 : i32
      %dma_start3A_160 = arith.constant 0 : i32
      %dma_start3A_161 = tpu.memref_slice %arg4[%dma_start3A_159, %scan3A_90, %add3A, %dma_start3A_160] : memref<64x25x32x1024xf32, #tpu.memory_space<hbm>> -> memref<64x1x1x512xf32, #tpu.memory_space<hbm>>
      %dma_start3A_162 = tpu.memref_squeeze %dma_start3A_161 : memref<64x1x1x512xf32, #tpu.memory_space<hbm>> -> memref<64x512xf32, #tpu.memory_space<hbm>>
      %dma_start3A_163 = arith.constant 0 : i32
      %dma_start3A_164 = arith.constant 0 : i32
      %dma_start3A_165 = tpu.memref_slice %arg7[%dma_start3A_147, %dma_start3A_163, %dma_start3A_164] : memref<2x64x513xf32, #tpu.memory_space<vmem>> -> memref<1x64x512xf32, #tpu.memory_space<vmem>>
      %dma_start3A_166 = tpu.memref_squeeze %dma_start3A_165 : memref<1x64x512xf32, #tpu.memory_space<vmem>> -> memref<64x512xf32, #tpu.memory_space<vmem>>
      tpu.enqueue_dma source(%dma_start3A_166 : memref<64x512xf32, #tpu.memory_space<vmem>>) target(%dma_start3A_162 : memref<64x512xf32, #tpu.memory_space<hbm>>) target_semaphore(%dma_start3A_158 : memref<!tpu.dma_semaphore, #tpu.memory_space<semaphore_mem>>)
      %dma_wait3A_167 = arith.constant 0 : i32
      %dma_wait3A_168 = arith.constant 0 : i32
      %dma_wait3A_169 = arith.constant 0 : i32
      %dma_wait3A_170 = arith.constant 0 : i32
      %dma_wait3A_171 = arith.constant 0 : i32
      %dma_wait3A_172 = tpu.memref_slice %arg6[%dma_wait3A_168, %dma_wait3A_170, %dma_wait3A_171] : memref<2x256x64xf32, #tpu.memory_space<vmem>> -> memref<1x256x64xf32, #tpu.memory_space<vmem>>
      %dma_wait3A_173 = tpu.memref_squeeze %dma_wait3A_172 : memref<1x256x64xf32, #tpu.memory_space<vmem>> -> memref<256x64xf32, #tpu.memory_space<vmem>>
      %dma_wait3A_174 = arith.constant 0 : i32
      %dma_wait3A_175 = tpu.memref_slice %arg5[%dma_wait3A_167, %dma_wait3A_174] : memref<100x256xi32, #tpu.memory_space<vmem>> -> memref<1x256xi32, #tpu.memory_space<vmem>>
      %dma_wait3A_176 = tpu.memref_squeeze %dma_wait3A_175 : memref<1x256xi32, #tpu.memory_space<vmem>> -> memref<256xi32, #tpu.memory_space<vmem>>
      %dma_wait3A_177 = arith.constant 0 : i32
      %dma_wait3A_178 = arith.constant 0 : i32
      %dma_wait3A_179 = tpu.memref_slice %arg3[%dma_wait3A_177, %dma_wait3A_178] : memref<1000000x64xf32, #tpu.memory_space<hbm>> -> memref<1000000x64xf32, #tpu.memory_space<hbm>>
      %dma_wait3A_180 = tpu.memref_slice %arg8[%dma_wait3A_169] : memref<2x!tpu.dma_semaphore, #tpu.memory_space<semaphore_mem>> -> memref<1x!tpu.dma_semaphore, #tpu.memory_space<semaphore_mem>>
      %dma_wait3A_181 = tpu.memref_squeeze %dma_wait3A_180 : memref<1x!tpu.dma_semaphore, #tpu.memory_space<semaphore_mem>> -> memref<!tpu.dma_semaphore, #tpu.memory_space<semaphore_mem>>
      tpu.wait_indirect_dma semaphore(%dma_wait3A_181 : memref<!tpu.dma_semaphore, #tpu.memory_space<semaphore_mem>>) src(%dma_wait3A_179 : memref<1000000x64xf32, #tpu.memory_space<hbm>>) dst(%dma_wait3A_173 : memref<256x64xf32, #tpu.memory_space<vmem>>)
      %gt3A_182 = arith.constant 0 : i32
      %gt3A_183 = arith.cmpi sgt, %scan3A_90, %gt3A_182 : i32
      %convert_element_type3A_184 = arith.extui %gt3A_183 : i1 to i32
      %cond3A_185 = arith.constant 0 : i32
      %cond3A_186 = arith.cmpi ne, %convert_element_type3A_184, %cond3A_185 : i32
      scf.if %cond3A_186 {
        %dma_wait3A_238 = arith.constant 1 : i32
        %dma_wait3A_239 = arith.constant 0 : i32
        %dma_wait3A_240 = arith.constant 0 : i32
        %dma_wait3A_241 = arith.constant 1 : i32
        %dma_wait3A_242 = arith.constant 0 : i32
        %dma_wait3A_243 = arith.constant 0 : i32
        %dma_wait3A_244 = tpu.memref_slice %arg7[%dma_wait3A_238, %dma_wait3A_242, %dma_wait3A_243] : memref<2x64x513xf32, #tpu.memory_space<vmem>> -> memref<1x64x512xf32, #tpu.memory_space<vmem>>
        %dma_wait3A_245 = tpu.memref_squeeze %dma_wait3A_244 : memref<1x64x512xf32, #tpu.memory_space<vmem>> -> memref<64x512xf32, #tpu.memory_space<vmem>>
        %dma_wait3A_246 = arith.constant 0 : i32
        %dma_wait3A_247 = arith.constant 0 : i32
        %dma_wait3A_248 = tpu.memref_slice %arg4[%dma_wait3A_246, %dma_wait3A_239, %dma_wait3A_240, %dma_wait3A_247] : memref<64x25x32x1024xf32, #tpu.memory_space<hbm>> -> memref<64x1x1x512xf32, #tpu.memory_space<hbm>>
        %dma_wait3A_249 = tpu.memref_squeeze %dma_wait3A_248 : memref<64x1x1x512xf32, #tpu.memory_space<hbm>> -> memref<64x512xf32, #tpu.memory_space<hbm>>
        %dma_wait3A_250 = tpu.memref_slice %arg9[%dma_wait3A_241] : memref<2x!tpu.dma_semaphore, #tpu.memory_space<semaphore_mem>> -> memref<1x!tpu.dma_semaphore, #tpu.memory_space<semaphore_mem>>
        %dma_wait3A_251 = tpu.memref_squeeze %dma_wait3A_250 : memref<1x!tpu.dma_semaphore, #tpu.memory_space<semaphore_mem>> -> memref<!tpu.dma_semaphore, #tpu.memory_space<semaphore_mem>>
        %dma_wait3A_252 = arith.constant 0 : i32
        %dma_wait3A_253 = arith.constant 0 : i32
        %dma_wait3A_254 = tpu.memref_slice %arg4[%dma_wait3A_252, %dma_wait3A_239, %dma_wait3A_240, %dma_wait3A_253] : memref<64x25x32x1024xf32, #tpu.memory_space<hbm>> -> memref<64x1x1x512xf32, #tpu.memory_space<hbm>>
        %dma_wait3A_255 = tpu.memref_squeeze %dma_wait3A_254 : memref<64x1x1x512xf32, #tpu.memory_space<hbm>> -> memref<64x512xf32, #tpu.memory_space<hbm>>
        %dma_wait3A_256 = arith.constant 0 : i32
        %dma_wait3A_257 = arith.constant 0 : i32
        %dma_wait3A_258 = tpu.memref_slice %arg7[%dma_wait3A_238, %dma_wait3A_256, %dma_wait3A_257] : memref<2x64x513xf32, #tpu.memory_space<vmem>> -> memref<1x64x512xf32, #tpu.memory_space<vmem>>
        %dma_wait3A_259 = tpu.memref_squeeze %dma_wait3A_258 : memref<1x64x512xf32, #tpu.memory_space<vmem>> -> memref<64x512xf32, #tpu.memory_space<vmem>>
        tpu.wait_dma2 semaphore(%dma_wait3A_251 : memref<!tpu.dma_semaphore, #tpu.memory_space<semaphore_mem>>) src(%dma_wait3A_259 : memref<64x512xf32, #tpu.memory_space<vmem>>) dst(%dma_wait3A_255 : memref<64x512xf32, #tpu.memory_space<hbm>>)
      } else {
      }
      %parallel_loop3A_187 = arith.constant 0 : i32
      %parallel_loop3A_188 = arith.constant 256 : i32
      %parallel_loop3A_189 = arith.constant 1 : i32
      scf.for %parallel_loop3A_238 = %parallel_loop3A_187 to %parallel_loop3A_188 step %parallel_loop3A_189  : i32 {
        %parallel_loop3A_239 = arith.constant 0 : i32
        %parallel_loop3A_240 = arith.addi %parallel_loop3A_239, %parallel_loop3A_238 : i32
        %parallel_loop3A_241 = vector.broadcast %parallel_loop3A_240 : i32 to vector<16xi32>
        %parallel_loop3A_242 = arith.constant 0 : i32
        %parallel_loop3A_243 = arith.index_cast %parallel_loop3A_242 : i32 to index
        %parallel_loop3A_244 = arith.index_cast %parallel_loop3A_238 : i32 to index
        %parallel_loop3A_245 = arith.constant 0 : index
        %parallel_loop3A_246 = tpu.vector_load %arg6[%parallel_loop3A_243, %parallel_loop3A_244, %parallel_loop3A_245] {strides = array<i32>} : memref<2x256x64xf32, #tpu.memory_space<vmem>>, vector<16xf32>,
        %parallel_loop3A_247 = arith.constant 1 : i32
        %parallel_loop3A_248 = arith.constant 0 : i32
        %parallel_loop3A_249 = arith.constant 0 : i32
        %parallel_loop3A_250 = tpu.memref_slice %arg7[%parallel_loop3A_247, %parallel_loop3A_248, %parallel_loop3A_249] : memref<2x64x513xf32, #tpu.memory_space<vmem>> -> memref<1x64x513xf32, #tpu.memory_space<vmem>>
        %parallel_loop3A_251 = tpu.memref_squeeze %parallel_loop3A_250 : memref<1x64x513xf32, #tpu.memory_space<vmem>> -> memref<64x513xf32, #tpu.memory_space<vmem>>
        tpu.vector_store_idx %parallel_loop3A_251[%add3A_3, %parallel_loop3A_241], %parallel_loop3A_246 : memref<64x513xf32, #tpu.memory_space<vmem>>[vector<16xi32>, vector<16xi32>], vector<16xf32>,
        %parallel_loop3A_252 = arith.constant 0 : i32
        %parallel_loop3A_253 = arith.index_cast %parallel_loop3A_252 : i32 to index
        %parallel_loop3A_254 = arith.index_cast %parallel_loop3A_238 : i32 to index
        %parallel_loop3A_255 = arith.constant 16 : index
        %parallel_loop3A_256 = tpu.vector_load %arg6[%parallel_loop3A_253, %parallel_loop3A_254, %parallel_loop3A_255] {strides = array<i32>} : memref<2x256x64xf32, #tpu.memory_space<vmem>>, vector<16xf32>,
        %parallel_loop3A_257 = arith.constant 1 : i32
        %parallel_loop3A_258 = arith.constant 0 : i32
        %parallel_loop3A_259 = arith.constant 0 : i32
        %parallel_loop3A_260 = tpu.memref_slice %arg7[%parallel_loop3A_257, %parallel_loop3A_258, %parallel_loop3A_259] : memref<2x64x513xf32, #tpu.memory_space<vmem>> -> memref<1x64x513xf32, #tpu.memory_space<vmem>>
        %parallel_loop3A_261 = tpu.memref_squeeze %parallel_loop3A_260 : memref<1x64x513xf32, #tpu.memory_space<vmem>> -> memref<64x513xf32, #tpu.memory_space<vmem>>
        tpu.vector_store_idx %parallel_loop3A_261[%add3A_6, %parallel_loop3A_241], %parallel_loop3A_256 : memref<64x513xf32, #tpu.memory_space<vmem>>[vector<16xi32>, vector<16xi32>], vector<16xf32>,
        %parallel_loop3A_262 = arith.constant 0 : i32
        %parallel_loop3A_263 = arith.index_cast %parallel_loop3A_262 : i32 to index
        %parallel_loop3A_264 = arith.index_cast %parallel_loop3A_238 : i32 to index
        %parallel_loop3A_265 = arith.constant 32 : index
        %parallel_loop3A_266 = tpu.vector_load %arg6[%parallel_loop3A_263, %parallel_loop3A_264, %parallel_loop3A_265] {strides = array<i32>} : memref<2x256x64xf32, #tpu.memory_space<vmem>>, vector<16xf32>,
        %parallel_loop3A_267 = arith.constant 1 : i32
        %parallel_loop3A_268 = arith.constant 0 : i32
        %parallel_loop3A_269 = arith.constant 0 : i32
        %parallel_loop3A_270 = tpu.memref_slice %arg7[%parallel_loop3A_267, %parallel_loop3A_268, %parallel_loop3A_269] : memref<2x64x513xf32, #tpu.memory_space<vmem>> -> memref<1x64x513xf32, #tpu.memory_space<vmem>>
        %parallel_loop3A_271 = tpu.memref_squeeze %parallel_loop3A_270 : memref<1x64x513xf32, #tpu.memory_space<vmem>> -> memref<64x513xf32, #tpu.memory_space<vmem>>
        tpu.vector_store_idx %parallel_loop3A_271[%add3A_9, %parallel_loop3A_241], %parallel_loop3A_266 : memref<64x513xf32, #tpu.memory_space<vmem>>[vector<16xi32>, vector<16xi32>], vector<16xf32>,
        %parallel_loop3A_272 = arith.constant 0 : i32
        %parallel_loop3A_273 = arith.index_cast %parallel_loop3A_272 : i32 to index
        %parallel_loop3A_274 = arith.index_cast %parallel_loop3A_238 : i32 to index
        %parallel_loop3A_275 = arith.constant 48 : index
        %parallel_loop3A_276 = tpu.vector_load %arg6[%parallel_loop3A_273, %parallel_loop3A_274, %parallel_loop3A_275] {strides = array<i32>} : memref<2x256x64xf32, #tpu.memory_space<vmem>>, vector<16xf32>,
        %parallel_loop3A_277 = arith.constant 1 : i32
        %parallel_loop3A_278 = arith.constant 0 : i32
        %parallel_loop3A_279 = arith.constant 0 : i32
        %parallel_loop3A_280 = tpu.memref_slice %arg7[%parallel_loop3A_277, %parallel_loop3A_278, %parallel_loop3A_279] : memref<2x64x513xf32, #tpu.memory_space<vmem>> -> memref<1x64x513xf32, #tpu.memory_space<vmem>>
        %parallel_loop3A_281 = tpu.memref_squeeze %parallel_loop3A_280 : memref<1x64x513xf32, #tpu.memory_space<vmem>> -> memref<64x513xf32, #tpu.memory_space<vmem>>
        tpu.vector_store_idx %parallel_loop3A_281[%add3A_12, %parallel_loop3A_241], %parallel_loop3A_276 : memref<64x513xf32, #tpu.memory_space<vmem>>[vector<16xi32>, vector<16xi32>], vector<16xf32>,
      } {sc.loop_unroll_factor = 4 : i64, sc.parallel_access}
      %lt3A_190 = arith.constant 24 : i32
      %lt3A_191 = arith.cmpi slt, %scan3A_90, %lt3A_190 : i32
      %convert_element_type3A_192 = arith.extui %lt3A_191 : i1 to i32
      %cond3A_193 = arith.constant 0 : i32
      %cond3A_194 = arith.cmpi ne, %convert_element_type3A_192, %cond3A_193 : i32
      scf.if %cond3A_194 {
        %add3A_238 = arith.constant 2 : i32
        %add3A_239 = arith.addi %mul3A_92, %add3A_238 : i32
        %add3A_240 = arith.constant 2 : i32
        %add3A_241 = arith.addi %add3A_239, %add3A_240 : i32
        %dma_start3A_242 = arith.constant 0 : i32
        %dma_start3A_243 = arith.constant 0 : i32
        %dma_start3A_244 = arith.constant 0 : i32
        %dma_start3A_245 = arith.constant 0 : i32
        %dma_start3A_246 = tpu.memref_slice %arg6[%dma_start3A_242, %dma_start3A_244, %dma_start3A_245] : memref<2x256x64xf32, #tpu.memory_space<vmem>> -> memref<1x256x64xf32, #tpu.memory_space<vmem>>
        %dma_start3A_247 = tpu.memref_squeeze %dma_start3A_246 : memref<1x256x64xf32, #tpu.memory_space<vmem>> -> memref<256x64xf32, #tpu.memory_space<vmem>>
        %dma_start3A_248 = arith.constant 0 : i32
        %dma_start3A_249 = tpu.memref_slice %arg5[%add3A_241, %dma_start3A_248] : memref<100x256xi32, #tpu.memory_space<vmem>> -> memref<1x256xi32, #tpu.memory_space<vmem>>
        %dma_start3A_250 = tpu.memref_squeeze %dma_start3A_249 : memref<1x256xi32, #tpu.memory_space<vmem>> -> memref<256xi32, #tpu.memory_space<vmem>>
        %dma_start3A_251 = arith.constant 0 : i32
        %dma_start3A_252 = arith.constant 0 : i32
        %dma_start3A_253 = tpu.memref_slice %arg3[%dma_start3A_251, %dma_start3A_252] : memref<1000000x64xf32, #tpu.memory_space<hbm>> -> memref<1000000x64xf32, #tpu.memory_space<hbm>>
        %dma_start3A_254 = tpu.memref_slice %arg8[%dma_start3A_243] : memref<2x!tpu.dma_semaphore, #tpu.memory_space<semaphore_mem>> -> memref<1x!tpu.dma_semaphore, #tpu.memory_space<semaphore_mem>>
        %dma_start3A_255 = tpu.memref_squeeze %dma_start3A_254 : memref<1x!tpu.dma_semaphore, #tpu.memory_space<semaphore_mem>> -> memref<!tpu.dma_semaphore, #tpu.memory_space<semaphore_mem>>
        tpu.enqueue_indirect_dma source(%dma_start3A_253 : memref<1000000x64xf32, #tpu.memory_space<hbm>>) target(%dma_start3A_247 : memref<256x64xf32, #tpu.memory_space<vmem>>) offsets(%dma_start3A_250 : memref<256xi32, #tpu.memory_space<vmem>>) semaphore(%dma_start3A_255 : memref<!tpu.dma_semaphore, #tpu.memory_space<semaphore_mem>>)
      } else {
      }
      %dma_wait3A_195 = arith.constant 0 : i32
      %dma_wait3A_196 = arith.constant 1 : i32
      %dma_wait3A_197 = arith.constant 1 : i32
      %dma_wait3A_198 = arith.constant 0 : i32
      %dma_wait3A_199 = arith.constant 0 : i32
      %dma_wait3A_200 = tpu.memref_slice %arg6[%dma_wait3A_196, %dma_wait3A_198, %dma_wait3A_199] : memref<2x256x64xf32, #tpu.memory_space<vmem>> -> memref<1x256x64xf32, #tpu.memory_space<vmem>>
      %dma_wait3A_201 = tpu.memref_squeeze %dma_wait3A_200 : memref<1x256x64xf32, #tpu.memory_space<vmem>> -> memref<256x64xf32, #tpu.memory_space<vmem>>
      %dma_wait3A_202 = arith.constant 0 : i32
      %dma_wait3A_203 = tpu.memref_slice %arg5[%dma_wait3A_195, %dma_wait3A_202] : memref<100x256xi32, #tpu.memory_space<vmem>> -> memref<1x256xi32, #tpu.memory_space<vmem>>
      %dma_wait3A_204 = tpu.memref_squeeze %dma_wait3A_203 : memref<1x256xi32, #tpu.memory_space<vmem>> -> memref<256xi32, #tpu.memory_space<vmem>>
      %dma_wait3A_205 = arith.constant 0 : i32
      %dma_wait3A_206 = arith.constant 0 : i32
      %dma_wait3A_207 = tpu.memref_slice %arg3[%dma_wait3A_205, %dma_wait3A_206] : memref<1000000x64xf32, #tpu.memory_space<hbm>> -> memref<1000000x64xf32, #tpu.memory_space<hbm>>
      %dma_wait3A_208 = tpu.memref_slice %arg8[%dma_wait3A_197] : memref<2x!tpu.dma_semaphore, #tpu.memory_space<semaphore_mem>> -> memref<1x!tpu.dma_semaphore, #tpu.memory_space<semaphore_mem>>
      %dma_wait3A_209 = tpu.memref_squeeze %dma_wait3A_208 : memref<1x!tpu.dma_semaphore, #tpu.memory_space<semaphore_mem>> -> memref<!tpu.dma_semaphore, #tpu.memory_space<semaphore_mem>>
      tpu.wait_indirect_dma semaphore(%dma_wait3A_209 : memref<!tpu.dma_semaphore, #tpu.memory_space<semaphore_mem>>) src(%dma_wait3A_207 : memref<1000000x64xf32, #tpu.memory_space<hbm>>) dst(%dma_wait3A_201 : memref<256x64xf32, #tpu.memory_space<vmem>>)
      %parallel_loop3A_210 = arith.constant 0 : i32
      %parallel_loop3A_211 = arith.constant 256 : i32
      %parallel_loop3A_212 = arith.constant 1 : i32
      scf.for %parallel_loop3A_238 = %parallel_loop3A_210 to %parallel_loop3A_211 step %parallel_loop3A_212  : i32 {
        %parallel_loop3A_239 = arith.constant 256 : i32
        %parallel_loop3A_240 = arith.addi %parallel_loop3A_239, %parallel_loop3A_238 : i32
        %parallel_loop3A_241 = vector.broadcast %parallel_loop3A_240 : i32 to vector<16xi32>
        %parallel_loop3A_242 = arith.constant 1 : i32
        %parallel_loop3A_243 = arith.index_cast %parallel_loop3A_242 : i32 to index
        %parallel_loop3A_244 = arith.index_cast %parallel_loop3A_238 : i32 to index
        %parallel_loop3A_245 = arith.constant 0 : index
        %parallel_loop3A_246 = tpu.vector_load %arg6[%parallel_loop3A_243, %parallel_loop3A_244, %parallel_loop3A_245] {strides = array<i32>} : memref<2x256x64xf32, #tpu.memory_space<vmem>>, vector<16xf32>,
        %parallel_loop3A_247 = arith.constant 1 : i32
        %parallel_loop3A_248 = arith.constant 0 : i32
        %parallel_loop3A_249 = arith.constant 0 : i32
        %parallel_loop3A_250 = tpu.memref_slice %arg7[%parallel_loop3A_247, %parallel_loop3A_248, %parallel_loop3A_249] : memref<2x64x513xf32, #tpu.memory_space<vmem>> -> memref<1x64x513xf32, #tpu.memory_space<vmem>>
        %parallel_loop3A_251 = tpu.memref_squeeze %parallel_loop3A_250 : memref<1x64x513xf32, #tpu.memory_space<vmem>> -> memref<64x513xf32, #tpu.memory_space<vmem>>
        tpu.vector_store_idx %parallel_loop3A_251[%add3A_3, %parallel_loop3A_241], %parallel_loop3A_246 : memref<64x513xf32, #tpu.memory_space<vmem>>[vector<16xi32>, vector<16xi32>], vector<16xf32>,
        %parallel_loop3A_252 = arith.constant 1 : i32
        %parallel_loop3A_253 = arith.index_cast %parallel_loop3A_252 : i32 to index
        %parallel_loop3A_254 = arith.index_cast %parallel_loop3A_238 : i32 to index
        %parallel_loop3A_255 = arith.constant 16 : index
        %parallel_loop3A_256 = tpu.vector_load %arg6[%parallel_loop3A_253, %parallel_loop3A_254, %parallel_loop3A_255] {strides = array<i32>} : memref<2x256x64xf32, #tpu.memory_space<vmem>>, vector<16xf32>,
        %parallel_loop3A_257 = arith.constant 1 : i32
        %parallel_loop3A_258 = arith.constant 0 : i32
        %parallel_loop3A_259 = arith.constant 0 : i32
        %parallel_loop3A_260 = tpu.memref_slice %arg7[%parallel_loop3A_257, %parallel_loop3A_258, %parallel_loop3A_259] : memref<2x64x513xf32, #tpu.memory_space<vmem>> -> memref<1x64x513xf32, #tpu.memory_space<vmem>>
        %parallel_loop3A_261 = tpu.memref_squeeze %parallel_loop3A_260 : memref<1x64x513xf32, #tpu.memory_space<vmem>> -> memref<64x513xf32, #tpu.memory_space<vmem>>
        tpu.vector_store_idx %parallel_loop3A_261[%add3A_6, %parallel_loop3A_241], %parallel_loop3A_256 : memref<64x513xf32, #tpu.memory_space<vmem>>[vector<16xi32>, vector<16xi32>], vector<16xf32>,
        %parallel_loop3A_262 = arith.constant 1 : i32
        %parallel_loop3A_263 = arith.index_cast %parallel_loop3A_262 : i32 to index
        %parallel_loop3A_264 = arith.index_cast %parallel_loop3A_238 : i32 to index
        %parallel_loop3A_265 = arith.constant 32 : index
        %parallel_loop3A_266 = tpu.vector_load %arg6[%parallel_loop3A_263, %parallel_loop3A_264, %parallel_loop3A_265] {strides = array<i32>} : memref<2x256x64xf32, #tpu.memory_space<vmem>>, vector<16xf32>,
        %parallel_loop3A_267 = arith.constant 1 : i32
        %parallel_loop3A_268 = arith.constant 0 : i32
        %parallel_loop3A_269 = arith.constant 0 : i32
        %parallel_loop3A_270 = tpu.memref_slice %arg7[%parallel_loop3A_267, %parallel_loop3A_268, %parallel_loop3A_269] : memref<2x64x513xf32, #tpu.memory_space<vmem>> -> memref<1x64x513xf32, #tpu.memory_space<vmem>>
        %parallel_loop3A_271 = tpu.memref_squeeze %parallel_loop3A_270 : memref<1x64x513xf32, #tpu.memory_space<vmem>> -> memref<64x513xf32, #tpu.memory_space<vmem>>
        tpu.vector_store_idx %parallel_loop3A_271[%add3A_9, %parallel_loop3A_241], %parallel_loop3A_266 : memref<64x513xf32, #tpu.memory_space<vmem>>[vector<16xi32>, vector<16xi32>], vector<16xf32>,
        %parallel_loop3A_272 = arith.constant 1 : i32
        %parallel_loop3A_273 = arith.index_cast %parallel_loop3A_272 : i32 to index
        %parallel_loop3A_274 = arith.index_cast %parallel_loop3A_238 : i32 to index
        %parallel_loop3A_275 = arith.constant 48 : index
        %parallel_loop3A_276 = tpu.vector_load %arg6[%parallel_loop3A_273, %parallel_loop3A_274, %parallel_loop3A_275] {strides = array<i32>} : memref<2x256x64xf32, #tpu.memory_space<vmem>>, vector<16xf32>,
        %parallel_loop3A_277 = arith.constant 1 : i32
        %parallel_loop3A_278 = arith.constant 0 : i32
        %parallel_loop3A_279 = arith.constant 0 : i32
        %parallel_loop3A_280 = tpu.memref_slice %arg7[%parallel_loop3A_277, %parallel_loop3A_278, %parallel_loop3A_279] : memref<2x64x513xf32, #tpu.memory_space<vmem>> -> memref<1x64x513xf32, #tpu.memory_space<vmem>>
        %parallel_loop3A_281 = tpu.memref_squeeze %parallel_loop3A_280 : memref<1x64x513xf32, #tpu.memory_space<vmem>> -> memref<64x513xf32, #tpu.memory_space<vmem>>
        tpu.vector_store_idx %parallel_loop3A_281[%add3A_12, %parallel_loop3A_241], %parallel_loop3A_276 : memref<64x513xf32, #tpu.memory_space<vmem>>[vector<16xi32>, vector<16xi32>], vector<16xf32>,
      } {sc.loop_unroll_factor = 4 : i64, sc.parallel_access}
      %lt3A_213 = arith.constant 24 : i32
      %lt3A_214 = arith.cmpi slt, %scan3A_90, %lt3A_213 : i32
      %convert_element_type3A_215 = arith.extui %lt3A_214 : i1 to i32
      %cond3A_216 = arith.constant 0 : i32
      %cond3A_217 = arith.cmpi ne, %convert_element_type3A_215, %cond3A_216 : i32
      scf.if %cond3A_217 {
        %add3A_238 = arith.constant 3 : i32
        %add3A_239 = arith.addi %mul3A_92, %add3A_238 : i32
        %add3A_240 = arith.constant 2 : i32
        %add3A_241 = arith.addi %add3A_239, %add3A_240 : i32
        %dma_start3A_242 = arith.constant 1 : i32
        %dma_start3A_243 = arith.constant 1 : i32
        %dma_start3A_244 = arith.constant 0 : i32
        %dma_start3A_245 = arith.constant 0 : i32
        %dma_start3A_246 = tpu.memref_slice %arg6[%dma_start3A_242, %dma_start3A_244, %dma_start3A_245] : memref<2x256x64xf32, #tpu.memory_space<vmem>> -> memref<1x256x64xf32, #tpu.memory_space<vmem>>
        %dma_start3A_247 = tpu.memref_squeeze %dma_start3A_246 : memref<1x256x64xf32, #tpu.memory_space<vmem>> -> memref<256x64xf32, #tpu.memory_space<vmem>>
        %dma_start3A_248 = arith.constant 0 : i32
        %dma_start3A_249 = tpu.memref_slice %arg5[%add3A_241, %dma_start3A_248] : memref<100x256xi32, #tpu.memory_space<vmem>> -> memref<1x256xi32, #tpu.memory_space<vmem>>
        %dma_start3A_250 = tpu.memref_squeeze %dma_start3A_249 : memref<1x256xi32, #tpu.memory_space<vmem>> -> memref<256xi32, #tpu.memory_space<vmem>>
        %dma_start3A_251 = arith.constant 0 : i32
        %dma_start3A_252 = arith.constant 0 : i32
        %dma_start3A_253 = tpu.memref_slice %arg3[%dma_start3A_251, %dma_start3A_252] : memref<1000000x64xf32, #tpu.memory_space<hbm>> -> memref<1000000x64xf32, #tpu.memory_space<hbm>>
        %dma_start3A_254 = tpu.memref_slice %arg8[%dma_start3A_243] : memref<2x!tpu.dma_semaphore, #tpu.memory_space<semaphore_mem>> -> memref<1x!tpu.dma_semaphore, #tpu.memory_space<semaphore_mem>>
        %dma_start3A_255 = tpu.memref_squeeze %dma_start3A_254 : memref<1x!tpu.dma_semaphore, #tpu.memory_space<semaphore_mem>> -> memref<!tpu.dma_semaphore, #tpu.memory_space<semaphore_mem>>
        tpu.enqueue_indirect_dma source(%dma_start3A_253 : memref<1000000x64xf32, #tpu.memory_space<hbm>>) target(%dma_start3A_247 : memref<256x64xf32, #tpu.memory_space<vmem>>) offsets(%dma_start3A_250 : memref<256xi32, #tpu.memory_space<vmem>>) semaphore(%dma_start3A_255 : memref<!tpu.dma_semaphore, #tpu.memory_space<semaphore_mem>>)
      } else {
      }
      %dma_start3A_218 = arith.constant 1 : i32
      %dma_start3A_219 = arith.constant 1 : i32
      %dma_start3A_220 = arith.constant 0 : i32
      %dma_start3A_221 = arith.constant 0 : i32
      %dma_start3A_222 = tpu.memref_slice %arg7[%dma_start3A_218, %dma_start3A_220, %dma_start3A_221] : memref<2x64x513xf32, #tpu.memory_space<vmem>> -> memref<1x64x512xf32, #tpu.memory_space<vmem>>
      %dma_start3A_223 = tpu.memref_squeeze %dma_start3A_222 : memref<1x64x512xf32, #tpu.memory_space<vmem>> -> memref<64x512xf32, #tpu.memory_space<vmem>>
      %dma_start3A_224 = arith.constant 0 : i32
      %dma_start3A_225 = arith.constant 512 : i32
      %dma_start3A_226 = tpu.memref_slice %arg4[%dma_start3A_224, %scan3A_90, %add3A, %dma_start3A_225] : memref<64x25x32x1024xf32, #tpu.memory_space<hbm>> -> memref<64x1x1x512xf32, #tpu.memory_space<hbm>>
      %dma_start3A_227 = tpu.memref_squeeze %dma_start3A_226 : memref<64x1x1x512xf32, #tpu.memory_space<hbm>> -> memref<64x512xf32, #tpu.memory_space<hbm>>
      %dma_start3A_228 = tpu.memref_slice %arg9[%dma_start3A_219] : memref<2x!tpu.dma_semaphore, #tpu.memory_space<semaphore_mem>> -> memref<1x!tpu.dma_semaphore, #tpu.memory_space<semaphore_mem>>
      %dma_start3A_229 = tpu.memref_squeeze %dma_start3A_228 : memref<1x!tpu.dma_semaphore, #tpu.memory_space<semaphore_mem>> -> memref<!tpu.dma_semaphore, #tpu.memory_space<semaphore_mem>>
      %dma_start3A_230 = arith.constant 0 : i32
      %dma_start3A_231 = arith.constant 512 : i32
      %dma_start3A_232 = tpu.memref_slice %arg4[%dma_start3A_230, %scan3A_90, %add3A, %dma_start3A_231] : memref<64x25x32x1024xf32, #tpu.memory_space<hbm>> -> memref<64x1x1x512xf32, #tpu.memory_space<hbm>>
      %dma_start3A_233 = tpu.memref_squeeze %dma_start3A_232 : memref<64x1x1x512xf32, #tpu.memory_space<hbm>> -> memref<64x512xf32, #tpu.memory_space<hbm>>
      %dma_start3A_234 = arith.constant 0 : i32
      %dma_start3A_235 = arith.constant 0 : i32
      %dma_start3A_236 = tpu.memref_slice %arg7[%dma_start3A_218, %dma_start3A_234, %dma_start3A_235] : memref<2x64x513xf32, #tpu.memory_space<vmem>> -> memref<1x64x512xf32, #tpu.memory_space<vmem>>
      %dma_start3A_237 = tpu.memref_squeeze %dma_start3A_236 : memref<1x64x512xf32, #tpu.memory_space<vmem>> -> memref<64x512xf32, #tpu.memory_space<vmem>>
      tpu.enqueue_dma source(%dma_start3A_237 : memref<64x512xf32, #tpu.memory_space<vmem>>) target(%dma_start3A_233 : memref<64x512xf32, #tpu.memory_space<hbm>>) target_semaphore(%dma_start3A_229 : memref<!tpu.dma_semaphore, #tpu.memory_space<semaphore_mem>>)
    }
    %scan3A_46 = arith.constant 25 : i32
    %dma_wait3A = arith.constant 0 : i32
    %dma_wait3A_47 = arith.constant 0 : i32
    %dma_wait3A_48 = arith.constant 0 : i32
    %dma_wait3A_49 = arith.constant 0 : i32
    %dma_wait3A_50 = arith.constant 0 : i32
    %dma_wait3A_51 = arith.constant 0 : i32
    %dma_wait3A_52 = tpu.memref_slice %arg7[%dma_wait3A, %dma_wait3A_50, %dma_wait3A_51] : memref<2x64x513xf32, #tpu.memory_space<vmem>> -> memref<1x64x512xf32, #tpu.memory_space<vmem>>
    %dma_wait3A_53 = tpu.memref_squeeze %dma_wait3A_52 : memref<1x64x512xf32, #tpu.memory_space<vmem>> -> memref<64x512xf32, #tpu.memory_space<vmem>>
    %dma_wait3A_54 = arith.constant 0 : i32
    %dma_wait3A_55 = arith.constant 0 : i32
    %dma_wait3A_56 = tpu.memref_slice %arg4[%dma_wait3A_54, %dma_wait3A_47, %dma_wait3A_48, %dma_wait3A_55] : memref<64x25x32x1024xf32, #tpu.memory_space<hbm>> -> memref<64x1x1x512xf32, #tpu.memory_space<hbm>>
    %dma_wait3A_57 = tpu.memref_squeeze %dma_wait3A_56 : memref<64x1x1x512xf32, #tpu.memory_space<hbm>> -> memref<64x512xf32, #tpu.memory_space<hbm>>
    %dma_wait3A_58 = tpu.memref_slice %arg9[%dma_wait3A_49] : memref<2x!tpu.dma_semaphore, #tpu.memory_space<semaphore_mem>> -> memref<1x!tpu.dma_semaphore, #tpu.memory_space<semaphore_mem>>
    %dma_wait3A_59 = tpu.memref_squeeze %dma_wait3A_58 : memref<1x!tpu.dma_semaphore, #tpu.memory_space<semaphore_mem>> -> memref<!tpu.dma_semaphore, #tpu.memory_space<semaphore_mem>>
    %dma_wait3A_60 = arith.constant 0 : i32
    %dma_wait3A_61 = arith.constant 0 : i32
    %dma_wait3A_62 = tpu.memref_slice %arg4[%dma_wait3A_60, %dma_wait3A_47, %dma_wait3A_48, %dma_wait3A_61] : memref<64x25x32x1024xf32, #tpu.memory_space<hbm>> -> memref<64x1x1x512xf32, #tpu.memory_space<hbm>>
    %dma_wait3A_63 = tpu.memref_squeeze %dma_wait3A_62 : memref<64x1x1x512xf32, #tpu.memory_space<hbm>> -> memref<64x512xf32, #tpu.memory_space<hbm>>
    %dma_wait3A_64 = arith.constant 0 : i32
    %dma_wait3A_65 = arith.constant 0 : i32
    %dma_wait3A_66 = tpu.memref_slice %arg7[%dma_wait3A, %dma_wait3A_64, %dma_wait3A_65] : memref<2x64x513xf32, #tpu.memory_space<vmem>> -> memref<1x64x512xf32, #tpu.memory_space<vmem>>
    %dma_wait3A_67 = tpu.memref_squeeze %dma_wait3A_66 : memref<1x64x512xf32, #tpu.memory_space<vmem>> -> memref<64x512xf32, #tpu.memory_space<vmem>>
    tpu.wait_dma2 semaphore(%dma_wait3A_59 : memref<!tpu.dma_semaphore, #tpu.memory_space<semaphore_mem>>) src(%dma_wait3A_67 : memref<64x512xf32, #tpu.memory_space<vmem>>) dst(%dma_wait3A_63 : memref<64x512xf32, #tpu.memory_space<hbm>>)
    %dma_wait3A_68 = arith.constant 1 : i32
    %dma_wait3A_69 = arith.constant 0 : i32
    %dma_wait3A_70 = arith.constant 0 : i32
    %dma_wait3A_71 = arith.constant 1 : i32
    %dma_wait3A_72 = arith.constant 0 : i32
    %dma_wait3A_73 = arith.constant 0 : i32
    %dma_wait3A_74 = tpu.memref_slice %arg7[%dma_wait3A_68, %dma_wait3A_72, %dma_wait3A_73] : memref<2x64x513xf32, #tpu.memory_space<vmem>> -> memref<1x64x512xf32, #tpu.memory_space<vmem>>
    %dma_wait3A_75 = tpu.memref_squeeze %dma_wait3A_74 : memref<1x64x512xf32, #tpu.memory_space<vmem>> -> memref<64x512xf32, #tpu.memory_space<vmem>>
    %dma_wait3A_76 = arith.constant 0 : i32
    %dma_wait3A_77 = arith.constant 0 : i32
    %dma_wait3A_78 = tpu.memref_slice %arg4[%dma_wait3A_76, %dma_wait3A_69, %dma_wait3A_70, %dma_wait3A_77] : memref<64x25x32x1024xf32, #tpu.memory_space<hbm>> -> memref<64x1x1x512xf32, #tpu.memory_space<hbm>>
    %dma_wait3A_79 = tpu.memref_squeeze %dma_wait3A_78 : memref<64x1x1x512xf32, #tpu.memory_space<hbm>> -> memref<64x512xf32, #tpu.memory_space<hbm>>
    %dma_wait3A_80 = tpu.memref_slice %arg9[%dma_wait3A_71] : memref<2x!tpu.dma_semaphore, #tpu.memory_space<semaphore_mem>> -> memref<1x!tpu.dma_semaphore, #tpu.memory_space<semaphore_mem>>
    %dma_wait3A_81 = tpu.memref_squeeze %dma_wait3A_80 : memref<1x!tpu.dma_semaphore, #tpu.memory_space<semaphore_mem>> -> memref<!tpu.dma_semaphore, #tpu.memory_space<semaphore_mem>>
    %dma_wait3A_82 = arith.constant 0 : i32
    %dma_wait3A_83 = arith.constant 0 : i32
    %dma_wait3A_84 = tpu.memref_slice %arg4[%dma_wait3A_82, %dma_wait3A_69, %dma_wait3A_70, %dma_wait3A_83] : memref<64x25x32x1024xf32, #tpu.memory_space<hbm>> -> memref<64x1x1x512xf32, #tpu.memory_space<hbm>>
    %dma_wait3A_85 = tpu.memref_squeeze %dma_wait3A_84 : memref<64x1x1x512xf32, #tpu.memory_space<hbm>> -> memref<64x512xf32, #tpu.memory_space<hbm>>
    %dma_wait3A_86 = arith.constant 0 : i32
    %dma_wait3A_87 = arith.constant 0 : i32
    %dma_wait3A_88 = tpu.memref_slice %arg7[%dma_wait3A_68, %dma_wait3A_86, %dma_wait3A_87] : memref<2x64x513xf32, #tpu.memory_space<vmem>> -> memref<1x64x512xf32, #tpu.memory_space<vmem>>
    %dma_wait3A_89 = tpu.memref_squeeze %dma_wait3A_88 : memref<1x64x512xf32, #tpu.memory_space<vmem>> -> memref<64x512xf32, #tpu.memory_space<vmem>>
    tpu.wait_dma2 semaphore(%dma_wait3A_81 : memref<!tpu.dma_semaphore, #tpu.memory_space<semaphore_mem>>) src(%dma_wait3A_89 : memref<64x512xf32, #tpu.memory_space<vmem>>) dst(%dma_wait3A_85 : memref<64x512xf32, #tpu.memory_space<hbm>>)
    return
  }
}

</mosaic_0001>

<sc_bundles>
// kernel: _sc_embed.3.cloned.1.call-start
scs
__scs_entry_jumppad:
0x0: {  	(pc) =	sbr.rel $0x88, $3  }
0x1: {  	(tag) =	ssettag $0x0;
	lr =	simm.s32 $0x1  }
0x2: {  	[smem:$0x3F9F] =	sst lr;
	_ =	strace $0xD0000000  }
0x3: {  	_ = 	snop  }
0x4: {  	_ = 	snop  }
0x5: {  	_ = 	snop  }
0x6: {  	_ = 	snop  }
0x7: {  	_ = 	snop  }
__scs_overlays_trampoline_lowered:
0x8: {  	[smem:$0x3FAE] =	sst s0  }
0x9: {  	[smem:$0x3FAF] =	sst s1  }
0xa: {  	[smem:$0x3FB0] =	sst s2  }
0xb: {  	[smem:$0x3FB1] =	sst s3  }
0xc: {  	[smem:$0x3FB2] =	sst s4  }
0xd: {  	[smem:$0x3FB3] =	sst s5  }
0xe: {  	[smem:$0x3FB4] =	sst s6  }
0xf: {  	[smem:$0x3FB5] =	sst s7  }
0x10: {  	[smem:$0x3FB6] =	sst s8  }
0x11: {  	[smem:$0x3FB7] =	sst s9;
	s0 =	simm.s32 @!p0 $0x0  }
0x12: {  	s1 =	sld [smem:$0x3F9D];
	s0 =	simm.s32 @p0 $0x1  }
0x13: {  	[smem:$0x3FB8] =	sst s0;
	s0 =	simm.s32 @!p1 $0x0  }
0x14: {  	s2 =	sld [smem:$0x3F9C];
	s0 =	simm.s32 @p1 $0x1  }
0x15: {  	[smem:$0x3FB9] =	sst s0;
	s0 =	simm.s32 @!p2 $0x0  }
0x16: {  	s3 =	sld [smem:$0x3FDB];
	s0 =	simm.s32 @p2 $0x1  }
0x17: {  	s4 =	simm.s32 $0x1BF5;
	[smem:$0x3FBB] =	sst s0  }
0x18: {  	s0 =	sld [smem:$0x3F9E];
	_ =	swait.ge [sflag:s4], $0x0  }
0x19: {  	s7 =	sld [smem:$0x3F9F]  }
0x1a: {  	s8 =	sadd.s32 $0xFFFFE003, lr  }
0x1b: {  	s9 =	sadd.s32 $0xFFFFFEF7, lr;
	s5 =	simm.s32 $0xFFFFFFFF;
	p2 =	slt.u32 s8, $0xFFFFF086  }
0x1c: {  	p1 =	slt.u32 s9, $0xF7A;
	s5 =	simm.s32 @!p2 $0x0  }
0x1d: {  	s5 =	simm.s32 @p1 $0x1;
	p0 =	seq.s32 s7, s2  }
0x1e: {  	s7 =	smul.u32 @!p0 $0xF7A, s2;
	p2 =	seq.s32 @!p0 s5, $0x0  }
0x1f: {  	s9 =	smul.u32 $0xF7A, s1;
	s8 =	simm.s32 @!p0 $0x1BF5;
	p2 =	por !p2, p0  }
0x20: {  	[sflag:s8] =	ssyncset.s32 @!p0 $0xFFFFF086;
	s6 =	sadd.s32 @!p0 s3, s7;
	s7 =	simm.s32 @!p0 $0x108  }
0x21: {  	s3 =	sadd.s32 s3, s9;
	s6 =	sadd.s32 @!p0 $0x88, s6;
	s7 =	simm.s32 @p2 $0x1082  }
0x22: {  	[simem:s7], [sflag:s8] =	dma.local @!p0 [hbm:s6], $0xF7A  }
0x23: {  	s9 =	sor.u32 $0xD0000000, s2;
	s6 =	simm.s32 $0x108;
	_ =	swait.ge @!p0 [sflag:s8], $0x0  }
0x24: {  	s3 =	sadd.s32 $0x88, s3;
	s6 =	simm.s32 @!p1 $0x1082;
	[sflag:s4] =	ssyncset.s32 $0xFFFFF086  }
0x25: {  	[simem:s6], [sflag:s4] =	dma.local [hbm:s3], $0xF7A  }
0x26: {  	[smem:$0x3F9F] =	sst s1;
	(tag) =	ssettag s2;
	_ =	strace s9  }
0x27: {  	s1 =	sld [smem:$0x3FAF]  }
0x28: {  	s2 =	sld [smem:$0x3FB0]  }
0x29: {  	s4 =	sld [smem:$0x3FB2]  }
0x2a: {  	p0 =	seq.s32 s5, $0x0;
	s5 =	sld [smem:$0x3FB3]  }
0x2b: {  	s6 =	sld [smem:$0x3FB4]  }
0x2c: {  	s7 =	sld [smem:$0x3FB5]  }
0x2d: {  	s3 =	simm.s32 $0x108;
	s8 =	sld [smem:$0x3FB6]  }
0x2e: {  	s3 =	simm.s32 @!p0 $0x1082;
	s9 =	sld [smem:$0x3FB7]  }
0x2f: {  	lr =	sadd.s32 s0, s3;
	s0 =	sld [smem:$0x3FAE]  }
0x30: {  	s3 =	sld [smem:$0x3FB1]  }
0x31: {  	[smem:$0x3FBA] =	sst s10  }
0x32: {  	s10 =	sld [smem:$0x3FB8];
	_ =	sdelay $0x3  }
0x33: {  	p0 =	seq.s32 s10, $0x1;
	s10 =	sld [smem:$0x3FBA];
	_ =	sdelay $0x3  }
0x34: {  	[smem:$0x3FBA] =	sst s10  }
0x35: {  	s10 =	sld [smem:$0x3FB9];
	_ =	sdelay $0x3  }
0x36: {  	p1 =	seq.s32 s10, $0x1;
	s10 =	sld [smem:$0x3FBA];
	_ =	sdelay $0x3  }
0x37: {  	[smem:$0x3FBA] =	sst s10  }
0x38: {  	s10 =	sld [smem:$0x3FBB]  }
0x39: {  	_ = 	snop;
	(pc) =	sbr.ind lr, $3  }
0x3a: {  	_ = 	snop  }
0x3b: {  	_ = 	snop  }
0x3c: {  	p2 =	seq.s32 s10, $0x1;
	s10 =	sld [smem:$0x3FBA]  }
0x3d: {  	_ =	shalt  }
0x3e: {  	_ =	shalt  }
0x3f: {  	_ =	shalt  }
0x40: {  	_ =	shalt  }
0x41: {  	_ =	shalt  }
0x42: {  	_ =	shalt  }
0x43: {  	_ =	shalt  }
0x44: {  	_ =	shalt  }
0x45: {  	_ =	shalt  }
0x46: {  	_ =	shalt  }
0x47: {  	_ =	shalt  }
0x48: {  	_ =	shalt  }
0x49: {  	_ =	shalt  }
0x4a: {  	_ =	shalt  }
0x4b: {  	_ =	shalt  }
0x4c: {  	_ =	shalt  }
0x4d: {  	_ =	shalt  }
0x4e: {  	_ =	shalt  }
0x4f: {  	_ =	shalt  }
0x50: {  	_ =	shalt  }
0x51: {  	_ =	shalt  }
0x52: {  	_ =	shalt  }
0x53: {  	_ =	shalt  }
0x54: {  	_ =	shalt  }
0x55: {  	_ =	shalt  }
0x56: {  	_ =	shalt  }
0x57: {  	_ =	shalt  }
0x58: {  	_ =	shalt  }
0x59: {  	_ =	shalt  }
0x5a: {  	_ =	shalt  }
0x5b: {  	_ =	shalt  }
0x5c: {  	_ =	shalt  }
0x5d: {  	_ =	shalt  }
0x5e: {  	_ =	shalt  }
0x5f: {  	_ =	shalt  }
0x60: {  	_ =	shalt  }
0x61: {  	_ =	shalt  }
0x62: {  	_ =	shalt  }
0x63: {  	_ =	shalt  }
0x64: {  	_ =	shalt  }
0x65: {  	_ =	shalt  }
0x66: {  	_ =	shalt  }
0x67: {  	_ =	shalt  }
0x68: {  	_ =	shalt  }
0x69: {  	_ =	shalt  }
0x6a: {  	_ =	shalt  }
0x6b: {  	_ =	shalt  }
0x6c: {  	_ =	shalt  }
0x6d: {  	_ =	shalt  }
0x6e: {  	_ =	shalt  }
0x6f: {  	_ =	shalt  }
0x70: {  	_ =	shalt  }
0x71: {  	_ =	shalt  }
0x72: {  	_ =	shalt  }
0x73: {  	_ =	shalt  }
0x74: {  	_ =	shalt  }
0x75: {  	_ =	shalt  }
0x76: {  	_ =	shalt  }
0x77: {  	_ =	shalt  }
0x78: {  	_ =	shalt  }
0x79: {  	_ =	shalt  }
0x7a: {  	_ =	shalt  }
0x7b: {  	_ =	shalt  }
0x7c: {  	_ =	shalt  }
0x7d: {  	_ =	shalt  }
0x7e: {  	_ =	shalt  }
0x7f: {  	_ =	shalt  }
0x80: {  	_ =	shalt  }
0x81: {  	_ =	shalt  }
0x82: {  	_ =	shalt  }
0x83: {  	_ =	shalt  }
0x84: {  	_ =	shalt  }
0x85: {  	_ =	shalt  }
0x86: {  	_ =	shalt  }
0x87: {  	_ =	shalt  }
.Lfunc_end0:
.L_simem_size_0:
called_computation_lowered:
.L_overlay_start_0:
0x88: {  	s2 =	sld [smem:$0x3FD9]  }
0x89: {  	s3 =	sld [smem:$0x3FFE];
	_ =	sdelay $0x1  }
0x8a: {  	s1 =	srdreg.scid  }
0x8b: {  	s0 =	sand.u32 $0x1, s1  }
0x8c: {  	s17 =	sshll.u32 s0, $0xA;
	s2 =	sadd.s32 s3, s2  }
0x8d: {  	s2 =	sadd.s32 s2, s17  }
0x8e: {  	[smem:$0x3FC6] =	sst s2  }
0x8f: {  	_ = 	snop  }
0x90: {  	s2 =	sld [smem:$0x3FD0];
	(tm) =	ssettm $0x1  }
0x91: {  	s18 =	sld [smem:$0x3FFB];
	_ =	sdelay $0x3  }
0x92: {  	_ =	strace s18  }
0x93: {  	s3 =	sld [smem:$0x3FFC];
	_ =	sdelay $0x3  }
0x94: {  	_ =	strace s3  }
0x95: {  	s3 =	sld [smem:$0x3FFD];
	_ =	sdelay $0x3  }
0x96: {  	_ =	strace s3  }
0x97: {  	_ =	strace $0x8FFFFFFF  }
0x98: {  	s19 =	sld [smem:$0x3FDB];
	_ =	sdelay $0x1  }
0x99: {  	s4 =	simm.s32 $_scs_section_size  }
0x9a: {  	s5 =	simm.s32 $_size__tile_overlayer_lowered;
	s6 =	simm.s32 $_tile_overlayer_lowered  }
0x9b: {  	s22 =	simm.s32 $0x1BFF;
	s21 =	sshll.u32 s6, $0x1;
	s3 =	sadd.s32 s4, s19  }
0x9c: {  	s7 =	simm.s32 $0x0;
	s20 =	sshll.u32 s5, $0x1;
	s5 =	sadd.s32 s21, s3  }
0x9d: {  	[timem:s7], [sflag:s22] =	dma.local [hbm:s5], s20  }
0x9e: {  	_ =	swait.ge [sflag:s22], s20  }
0x9f: {  	s4 =	ssub.s32 $0x0, s20;
	[sflag:s22] =	ssyncset.done $0x0  }
0xa0: {  	[sflag:s22] =	ssyncadd.s32 s4;
	_ =	sdelay $0x1  }
0xa1: {  	s23 =	simm.s32 $0x1B8B  }
0xa2: {  	_ =	swait.ge [sflag:s23], $0x1  }
0xa3: {  	[sflag:s23] =	ssyncset.done $0x0  }
0xa4: {  	s25 =	simm.s32 $0x1B8E;
	s24 =	sld [smem:$0x3FFE];
	[sflag:s23] =	ssyncadd.s32 $0xFFFFFFFF  }
0xa5: {  	s26 =	simm.s32 $execute0_lowered;
	[smem:$0x3FD2] =	sst s25  }
0xa6: {  	s5 =	sshll.u32 s26, $0x1;
	_ =	strace $0x80000046;
	[dreg:$0x1] =	wrdreg $0xFFFFFFFF  }
0xa7: {  	s28 =	simm.s32 $_size_execute0_lowered;
	s3 =	sadd.s32 s3, s5;
	[dreg:$0x0] =	wrdreg $0x0  }
0xa8: {  	s5 =	sshll.u32 s28, $0x1;
	[dreg:$0x2] =	wrdreg s3  }
0xa9: {  	[dreg:$0x3] =	wrdreg s5  }
0xaa: {  	[dreg:$0x4] =	wrdreg $0xC0  }
0xab: {  	_ =	task [dreg:s7], $0x5FFFF  }
0xac: {  	[dreg:$0x1] =	wrdreg $0xFFFFFFFF  }
0xad: {  	[dreg:$0x0] =	wrdreg $0x60  }
0xae: {  	[dreg:$0x2] =	wrdreg s2  }
0xaf: {  	[dreg:$0x3] =	wrdreg s24  }
0xb0: {  	[dreg:$0x4] =	wrdreg $0x9  }
0xb1: {  	_ =	task.clear_ibuf [dreg:s7], $0x5FFFF;
	_ =	strace $0x90000046  }
0xb2: {  	s29 =	simm.s32 $0x9;
	_ =	strace $0x80000048  }
0xb3: {  	_ =	swait.ge [sflag:s29], $0x1  }
0xb4: {  	[sflag:s29] =	ssyncadd.s32 $0xFFFFFFFF  }
0xb5: {  	_ =	strace $0x90000048  }
0xb6: {  	_ =	sfence  }
0xb7: {  	s30 =	sld [smem:$0x0];
	_ =	sdelay $0x2  }
0xb8: {  	s31 =	sshll.u32 s1, $0xD;
	s1 =	sshrl.u32 s1, $0x2  }
0xb9: {  	s3 =	sand.u32 $0x4000, s31;
	s1 =	sadd.s32 s1, s30  }
0xba: {  	s0 =	sor.u32 s3, s0;
	s1 =	sshll.u32 s1, $0x11  }
0xbb: {  	s0 =	sor.u32 s1, s0  }
0xbc: {  	s0 =	sadd.s32 $0x8F2B, s0  }
0xbd: {  	[sflag:s0] =	ssyncadd.remote.s32 $0x1  }
0xbe: {  	_ =	sfence.sel $0xFFFF  }
0xbf: {  	[dreg:$0x0] =	wrdreg $0xFFFFFFFF;
	(pc) =	sbr.abs _section_cstart, $3  }
0xc0: {  	[dreg:$0x1] =	wrdreg $0xFFFFFFFF  }
0xc1: {  	_ =	task.clear_ibuf [dreg:s7], $0x2FFFF;
	_ =	strace $0x9FFFFFFF  }
0xc2: {  	(tm) =	ssettm $0x7FFFFFFF  }
0xc3: {  	_ =	shalt  }
tec
execute0_lowered:
.L_overlay_start_1:
0x0: {  	(tag) =	ssettag $0x1  }
0x1: {  	s5 =	rddreg [dreg:$0x0]  }
0x2: {  	s7 =	rddreg [dreg:$0x1]  }
0x3: {  	s0 =	rddreg [dreg:$0x2]  }
0x4: {  	s2 =	simm.s32 $0x0;
	s3 =	srdreg.scid;
	s1 =	stileid.u32  }
0x5: {  	s11 =	simm.s32 $0x5;
	s12 =	simm.s32 $0x6400;
	s13 =	simm.s32 $0xA400  }
0x6: {  	s14 =	simm.s32 $0x1;
	s15 =	simm.s32 $0xE400;
	s16 =	simm.s32 $0x2  }
0x7: {  	s17 =	simm.s32 $0x16600;
	s18 =	simm.s32 $0x3;
	s19 =	simm.s32 $0x4  }
0x8: {  	s20 =	simm.s32 $0x0;
	[smem:$0x7FF] =	sst s2;
	s3 =	sand.u32 $0x1, s3  }
0x9: {  	s4 =	sshll.u32 s1, $0x1;
	_ =	strace $0x80000047;
	s6 =	ssub.s32 $0x2, s3  }
0xa: {  	v0 =	vlaneseq.u32;
	s8 =	sor.u32 s3, s4;
	s3 =	sadd.s32 $0xF42A00, s7;
	s4 =	sadd.s32 $0x600, s7  }
0xb: {  	v0 =	vmul.u32 $0x208, v0;
	s7 =	sadd.s32 $0x640, s7;
	s9 =	sshrl.u32 s6, $0x1;
	s10 =	sshll.u32 s8, $0x5  }
0xc: {  	s9 =	ssub.s32 s6, s9;
	s5 =	sadd.s32 s5, s10;
	s6 =	sshll.u32 s8, $0x7  }
0xd: {  	v1 =	vadd.s32 $0x2080, v0;
	v2 =	vadd.s32 $0x4100, v0;
	v3 =	vadd.s32 $0x6180, v0;
	s10 =	simm.s32 $0x2000;
	s8 =	smax.u32 s9, $0x1;
	s9 =	simm.s32 $0x100  }
.LBB2_1:
0xe: {  	[tilespmem:s2], [sflag:$0x5] =	stream.strided.gather [hbm4b:s5+s9], $0x6400, s10, s9, $0x38;
	[tilespmem:$0x1E800] =	vst v63  }
0xf: {  	_ =	swait.ge [sflag:s11], $0x6400  }
0x10: {  	[sflag:s11] =	ssyncset.done $0x0  }
0x11: {  	[sflag:s11] =	ssyncadd.s32 $0xFFFF9C00  }
0x12: {  	[tilespmem:s12], [sflag:$0x1] =	stream.indirect.gather [hbm4b:s3+s9], $0x40, s2, s9, $0xb8;
	[tilespmem:$0x1E800] =	vst v63  }
0x13: {  	s21 =	simm.s32 $0x0  }
0x14: {  	[tilespmem:s13], [sflag:$0x2] =	stream.indirect.gather [hbm4b:s3+s9], $0x40, s9, s9, $0xb8;
	[tilespmem:$0x1E800] =	vst v63  }
.LBB2_2:
0x15: {  	_ =	swait.ge [sflag:s14], $0x4000  }
0x16: {  	p0 =	seq.s32 s21, $0x0;
	[sflag:s14] =	ssyncset.done $0x0  }
0x17: {  	s22 =	simm.s32 @!p0 $0x3;
	[sflag:s14] =	ssyncadd.s32 $0xFFFFC000  }
0x18: {  	s23 =	simm.s32 $0x3;
	_ =	swait.ge @!p0 [sflag:s22], $0x8000  }
0x19: {  	s31 =	simm.s32 $0x0;
	v4 =	vmov s23;
	[sflag:s22] =	ssyncset.done @!p0 $0x0  }
0x1a: {  	s24 =	simm.s32 $0x6480;
	s23 =	simm.s32 $0x1;
	v5 =	vand.u32 $0xFF, v4;
	v4 =	vmov s31;
	[sflag:s22] =	ssyncadd.s32 @!p0 $0xFFFF8000  }
0x1b: {  	v8 =	vadd.s32 v0, v5;
	v6 =	vand.u32 $0xFC, v4;
	v4 =	vmov s23;
	v7 =	vld [tilespmem:s24+$0x40]  }
0x1c: {  	v10 =	vadd.s32 v0, v6;
	v11 =	vand.u32 $0xFD, v4;
	v9 =	vld [tilespmem:s24+$0xFFFFFF80]  }
0x1d: {  	s25 =	simm.s32 $0x2;
	v12 =	vadd.s32 v0, v11;
	v4 =	vld [tilespmem:s24+$0xFFFFFFC0]  }
0x1e: {  	v13 =	vmov s25  }
0x1f: {  	v13 =	vand.u32 $0xFE, v13  }
0x20: {  	v15 =	vadd.s32 v0, v13;
	v14 =	vld [tilespmem:s24+$0x0];
	[tilespmem:v8+s15+$0x0] =	vst.idx.msk $0xffff, v7  }
0x21: {  	v8 =	vadd.s32 v1, v5;
	[tilespmem:v10+s15+$0x0] =	vst.idx.msk $0xffff, v9;
	v7 =	vld [tilespmem:s24+$0x50]  }
0x22: {  	v10 =	vadd.s32 v1, v6;
	[tilespmem:v12+s15+$0x0] =	vst.idx.msk $0xffff, v4;
	v9 =	vld [tilespmem:s24+$0xFFFFFF90]  }
0x23: {  	v12 =	vadd.s32 v1, v11;
	v4 =	vld [tilespmem:s24+$0xFFFFFFD0];
	_ =	sdelay $0x1  }
0x24: {  	[tilespmem:v15+s15+$0x0] =	vst.idx.msk $0xffff, v14  }
0x25: {  	v16 =	vadd.s32 v1, v13;
	v15 =	vld [tilespmem:s24+$0x10];
	[tilespmem:v8+s15+$0x0] =	vst.idx.msk $0xffff, v7  }
0x26: {  	s26 =	simm.s32 $0x7;
	v14 =	vadd.s32 v2, v5;
	[tilespmem:v10+s15+$0x0] =	vst.idx.msk $0xffff, v9;
	v7 =	vld [tilespmem:s24+$0x60]  }
0x27: {  	v10 =	vadd.s32 v2, v6;
	v8 =	vmov s26;
	[tilespmem:v12+s15+$0x0] =	vst.idx.msk $0xffff, v4;
	v9 =	vld [tilespmem:s24+$0xFFFFFFA0]  }
0x28: {  	v17 =	vadd.s32 v2, v11;
	s22 =	simm.s32 $0x6580;
	v8 =	vand.u32 $0xFF, v8;
	v12 =	vld [tilespmem:s24+$0xFFFFFFE0]  }
0x29: {  	s29 =	simm.s32 $0x4;
	v18 =	vld [tilespmem:s22+$0x40];
	v19 =	vadd.s32 v0, v8  }
0x2a: {  	s30 =	simm.s32 $0x5;
	v4 =	vmov s29;
	[tilespmem:v16+s15+$0x0] =	vst.idx.msk $0xffff, v15  }
0x2b: {  	v22 =	vmov s30;
	v4 =	vand.u32 $0xFC, v4;
	[tilespmem:v14+s15+$0x0] =	vst.idx.msk $0xffff, v7  }
0x2c: {  	s31 =	simm.s32 $0x6;
	v20 =	vld [tilespmem:s22+$0xFFFFFF80];
	v21 =	vadd.s32 v0, v4;
	v7 =	vand.u32 $0xFD, v22;
	[tilespmem:v10+s15+$0x0] =	vst.idx.msk $0xffff, v9  }
0x2d: {  	v14 =	vmov s31;
	v9 =	vld [tilespmem:s22+$0xFFFFFFC0];
	[tilespmem:v17+s15+$0x0] =	vst.idx.msk $0xffff, v12;
	v10 =	vadd.s32 v0, v7  }
0x2e: {  	v16 =	vadd.s32 v3, v5;
	v12 =	vld [tilespmem:s24+$0x20];
	v5 =	vand.u32 $0xFE, v14;
	[tilespmem:v19+s15+$0x0] =	vst.idx.msk $0xffff, v18;
	v18 =	vadd.s32 v2, v13  }
0x2f: {  	v14 =	vld [tilespmem:s22+$0x0];
	v63 =	vadd.s32 v0, v5  }
0x30: {  	v15 =	vld [tilespmem:s24+$0x70]  }
0x31: {  	[tilespmem:v21+s15+$0x0] =	vst.idx.msk $0xffff, v20;
	v20 =	vadd.s32 v1, v8;
	v19 =	vld [tilespmem:s22+$0x50]  }
0x32: {  	v23 =	vadd.s32 v1, v4;
	v21 =	vld [tilespmem:s22+$0xFFFFFF90];
	[tilespmem:v10+s15+$0x0] =	vst.idx.msk $0xffff, v9  }
0x33: {  	v25 =	vadd.s32 v3, v11;
	v24 =	vld [tilespmem:s24+$0xFFFFFFF0];
	[tilespmem:v18+s15+$0x0] =	vst.idx.msk $0xffff, v12  }
0x34: {  	v18 =	vadd.s32 v1, v7;
	v17 =	vld [tilespmem:s22+$0xFFFFFFD0];
	[tilespmem:v63+s15+$0x0] =	vst.idx.msk $0xffff, v14  }
0x35: {  	[tilespmem:v16+s15+$0x0] =	vst.idx.msk $0xffff, v15;
	v16 =	vadd.s32 v1, v5;
	v14 =	vld [tilespmem:s22+$0x10]  }
0x36: {  	v15 =	vadd.s32 v3, v13;
	[tilespmem:v20+s15+$0x0] =	vst.idx.msk $0xffff, v19;
	v10 =	vld [tilespmem:s24+$0x30]  }
0x37: {  	s28 =	simm.s32 $0xB;
	v12 =	vadd.s32 v2, v8;
	[tilespmem:v23+s15+$0x0] =	vst.idx.msk $0xffff, v21;
	v9 =	vld [tilespmem:s22+$0x60]  }
0x38: {  	s25 =	simm.s32 $0x8;
	s23 =	sshll.u32 s21, $0xC;
	s26 =	simm.s32 $0xC;
	v13 =	vadd.s32 v2, v4;
	[tilespmem:v25+s15+$0x0] =	vst.idx.msk $0xffff, v24;
	v11 =	vld [tilespmem:s22+$0xFFFFFFA0]  }
.LBB2_3:
0x39: {  	p1 =	slt.u32 s26, $0xFC;
	v19 =	vmov s28;
	[tilespmem:v18+s15+$0x0] =	vst.idx.msk $0xffff, v17;
	v17 =	vld [tilespmem:s24+$0xFFFFFFB0];
	v18 =	vadd.s32 v3, v6;
	v6 =	vmov v4;
	s24 =	smov.u32 s22  }
0x3a: {  	v4 =	vmov s25;
	v21 =	vadd.s32 v2, v7;
	s22 =	sadd.s32 $0x100, s22;
	v19 =	vand.u32 $0xFF, v19;
	v20 =	vld [tilespmem:s24+$0xFFFFFFE0];
	[tilespmem:v16+s15+$0x0] =	vst.idx.msk $0xffff, v14  }
0x3b: {  	s28 =	sadd.s32 $0x1, s25;
	v4 =	vand.u32 $0xFC, v4;
	v14 =	vld [tilespmem:s22+$0x40];
	v16 =	vadd.s32 v0, v19;
	[tilespmem:v15+s15+$0x0] =	vst.idx.msk $0xffff, v10  }
0x3c: {  	v22 =	vmov s28;
	s28 =	sadd.s32 $0x2, s25;
	s25 =	smov.u32 s26;
	v15 =	vadd.s32 v0, v4;
	v10 =	vld [tilespmem:s22+$0xFFFFFF80];
	[tilespmem:v12+s15+$0x0] =	vst.idx.msk $0xffff, v9  }
0x3d: {  	v9 =	vand.u32 $0xFD, v22;
	v12 =	vmov s28;
	[tilespmem:v13+s15+$0x0] =	vst.idx.msk $0xffff, v11;
	v11 =	vld [tilespmem:s24+$0x70];
	v13 =	vadd.s32 v3, v8;
	v8 =	vmovc v19  }
0x3e: {  	v22 =	vadd.s32 v0, v9;
	v12 =	vand.u32 $0xFE, v12;
	v19 =	vld [tilespmem:s22+$0xFFFFFFC0];
	[tilespmem:v18+s15+$0x0] =	vst.idx.msk $0xffff, v17  }
0x3f: {  	v24 =	vadd.s32 v0, v12;
	v23 =	vld [tilespmem:s22+$0x0];
	[tilespmem:v21+s15+$0x0] =	vst.idx.msk $0xffff, v20  }
0x40: {  	v21 =	vadd.s32 v2, v5;
	[tilespmem:v16+s15+$0x0] =	vst.idx.msk $0xffff, v14;
	v20 =	vld [tilespmem:s24+$0x20]  }
0x41: {  	[tilespmem:v15+s15+$0x0] =	vst.idx.msk $0xffff, v10;
	v10 =	vld [tilespmem:s22+$0x50];
	v15 =	vadd.s32 v1, v8  }
0x42: {  	v26 =	vadd.s32 v1, v4;
	v25 =	vld [tilespmem:s22+$0xFFFFFF90];
	[tilespmem:v13+s15+$0x0] =	vst.idx.msk $0xffff, v11  }
0x43: {  	[tilespmem:v22+s15+$0x0] =	vst.idx.msk $0xffff, v19;
	v19 =	vld [tilespmem:s24+$0xFFFFFFF0];
	v22 =	vadd.s32 v3, v7;
	v7 =	vmov v9  }
.Ltmp0:
0x44: {  	v17 =	vld [tilespmem:s22+$0xFFFFFFD0];
	v18 =	vadd.s32 v1, v7;
	[tilespmem:v24+s15+$0x0] =	vst.idx.msk $0xffff, v23;
	(pc) =	sbr.rel @p1 .LBB2_3-.Ltmp0, $4  }
0x45: {  	v16 =	vadd.s32 v1, v12;
	v14 =	vld [tilespmem:s22+$0x10];
	[tilespmem:v21+s15+$0x0] =	vst.idx.msk $0xffff, v20  }
0x46: {  	[tilespmem:v15+s15+$0x0] =	vst.idx.msk $0xffff, v10;
	v10 =	vld [tilespmem:s24+$0x30];
	v15 =	vadd.s32 v3, v5;
	v5 =	vmov v12  }
0x47: {  	v12 =	vadd.s32 v2, v8;
	[tilespmem:v26+s15+$0x0] =	vst.idx.msk $0xffff, v25;
	v9 =	vld [tilespmem:s22+$0x60]  }
0x48: {  	s26 =	sadd.s32 $0x4, s26;
	s28 =	sadd.s32 $0x3, s25;
	v13 =	vadd.s32 v2, v4;
	v11 =	vld [tilespmem:s22+$0xFFFFFFA0];
	[tilespmem:v22+s15+$0x0] =	vst.idx.msk $0xffff, v19  }
0x49: {  	_ =	sdelay $0x2  }
0x4a: {  	v19 =	vmov s28;
	s26 =	sadd.s32 $0x1, s25  }
0x4b: {  	[tilespmem:v18+s15+$0x0] =	vst.idx.msk $0xffff, v17;
	v17 =	vld [tilespmem:s24+$0xFFFFFFB0];
	v6 =	vadd.s32 v3, v6;
	s30 =	sadd.s32 $0x100, s22;
	s31 =	sadd.s32 $0x2, s25;
	v18 =	vand.u32 $0xFF, v19;
	v19 =	vmov s26  }
0x4c: {  	[tilespmem:v16+s15+$0x0] =	vst.idx.msk $0xffff, v14;
	v14 =	vld [tilespmem:s30+$0x40];
	v20 =	vmov s31;
	v16 =	vadd.s32 v0, v18;
	v19 =	vand.u32 $0xFD, v19  }
0x4d: {  	v21 =	vmov s25;
	[tilespmem:v15+s15+$0x0] =	vst.idx.msk $0xffff, v10;
	v10 =	vld [tilespmem:s30+$0xFFFFFFC0];
	v20 =	vand.u32 $0xFE, v20;
	v15 =	vadd.s32 v0, v19  }
0x4e: {  	v21 =	vand.u32 $0xFC, v21;
	[tilespmem:v12+s15+$0x0] =	vst.idx.msk $0xffff, v9;
	v9 =	vld [tilespmem:s30+$0x0];
	v12 =	vadd.s32 v0, v20  }
0x4f: {  	v22 =	vld [tilespmem:s30+$0xFFFFFF80];
	[tilespmem:v13+s15+$0x0] =	vst.idx.msk $0xffff, v11;
	v11 =	vadd.s32 v0, v21  }
0x50: {  	v13 =	vld [tilespmem:s22+$0xFFFFFFE0];
	[tilespmem:v6+s15+$0x0] =	vst.idx.msk $0xffff, v17;
	v6 =	vadd.s32 v2, v7  }
0x51: {  	v8 =	vadd.s32 v3, v8;
	v17 =	vld [tilespmem:s22+$0x70];
	[tilespmem:v16+s15+$0x0] =	vst.idx.msk $0xffff, v14  }
0x52: {  	v16 =	vadd.s32 v1, v18;
	v14 =	vld [tilespmem:s30+$0x50];
	[tilespmem:v15+s15+$0x0] =	vst.idx.msk $0xffff, v10  }
0x53: {  	v15 =	vadd.s32 v1, v19;
	[tilespmem:v12+s15+$0x0] =	vst.idx.msk $0xffff, v9;
	v10 =	vld [tilespmem:s30+$0xFFFFFFD0]  }
0x54: {  	[tilespmem:v11+s15+$0x0] =	vst.idx.msk $0xffff, v22;
	v9 =	vld [tilespmem:s30+$0x10];
	v11 =	vadd.s32 v1, v20  }
0x55: {  	v12 =	vadd.s32 v1, v21;
	[tilespmem:v6+s15+$0x0] =	vst.idx.msk $0xffff, v13;
	v6 =	vld [tilespmem:s30+$0xFFFFFF90]  }
0x56: {  	v59 =	vadd.s32 v2, v5;
	v13 =	vld [tilespmem:s22+$0x20];
	[tilespmem:v8+s15+$0x0] =	vst.idx.msk $0xffff, v17  }
0x57: {  	v7 =	vadd.s32 v3, v7;
	v8 =	vld [tilespmem:s22+$0xFFFFFFF0];
	[tilespmem:v16+s15+$0x0] =	vst.idx.msk $0xffff, v14  }
0x58: {  	v16 =	vadd.s32 v2, v18;
	v14 =	vld [tilespmem:s30+$0x60];
	[tilespmem:v15+s15+$0x0] =	vst.idx.msk $0xffff, v10  }
0x59: {  	v15 =	vadd.s32 v2, v19;
	[tilespmem:v11+s15+$0x0] =	vst.idx.msk $0xffff, v9;
	v10 =	vld [tilespmem:s30+$0xFFFFFFE0]  }
0x5a: {  	v9 =	vadd.s32 v2, v20;
	[tilespmem:v12+s15+$0x0] =	vst.idx.msk $0xffff, v6;
	v6 =	vld [tilespmem:s30+$0x20]  }
0x5b: {  	[tilespmem:v59+s15+$0x0] =	vst.idx.msk $0xffff, v13;
	v12 =	vadd.s32 v2, v21;
	v11 =	vld [tilespmem:s30+$0xFFFFFFA0]  }
0x5c: {  	v5 =	vadd.s32 v3, v5;
	v13 =	vld [tilespmem:s22+$0x30];
	[tilespmem:v7+s15+$0x0] =	vst.idx.msk $0xffff, v8  }
0x5d: {  	v4 =	vadd.s32 v3, v4;
	v7 =	vld [tilespmem:s22+$0xFFFFFFB0];
	[tilespmem:v16+s15+$0x0] =	vst.idx.msk $0xffff, v14  }
0x5e: {  	v14 =	vadd.s32 v3, v18;
	v8 =	vld [tilespmem:s30+$0x70];
	[tilespmem:v15+s15+$0x0] =	vst.idx.msk $0xffff, v10  }
0x5f: {  	v15 =	vadd.s32 v3, v19;
	[tilespmem:v9+s15+$0x0] =	vst.idx.msk $0xffff, v6;
	v10 =	vld [tilespmem:s30+$0xFFFFFFF0]  }
0x60: {  	v9 =	vadd.s32 v3, v20;
	[tilespmem:v12+s15+$0x0] =	vst.idx.msk $0xffff, v11;
	v6 =	vld [tilespmem:s30+$0x30]  }
0x61: {  	[tilespmem:v5+s15+$0x0] =	vst.idx.msk $0xffff, v13;
	v11 =	vadd.s32 v3, v21;
	v5 =	vld [tilespmem:s30+$0xFFFFFFB0]  }
0x62: {  	[tilespmem:v4+s15+$0x0] =	vst.idx.msk $0xffff, v7  }
0x63: {  	[tilespmem:v14+s15+$0x0] =	vst.idx.msk $0xffff, v8  }
0x64: {  	[tilespmem:v15+s15+$0x0] =	vst.idx.msk $0xffff, v10  }
0x65: {  	s22 =	sshrl.u32 s23, $0x2;
	[tilespmem:v9+s15+$0x0] =	vst.idx.msk $0xffff, v6  }
0x66: {  	s28 =	sadd.s32 $0x200, s22;
	[tilespmem:v11+s15+$0x0] =	vst.idx.msk $0xffff, v5  }
0x67: {  	[tilespmem:s12], [sflag:$0x1] =	stream.indirect.gather [hbm4b:s3+s9], $0x40, s28, s9, $0xb8;
	[tilespmem:$0x1E800] =	vst v63  }
0x68: {  	s29 =	simm.s32 $0x103;
	_ =	swait.ge [sflag:s16], $0x4000  }
0x69: {  	v4 =	vmov s29;
	s30 =	simm.s32 $0x100;
	[sflag:s16] =	ssyncset.done $0x0  }
0x6a: {  	s24 =	simm.s32 $0xA400;
	v8 =	vand.u32 $0x1FF, v4;
	v4 =	vmov s30;
	[sflag:s16] =	ssyncadd.s32 $0xFFFFC000  }
0x6b: {  	s31 =	simm.s32 $0x101;
	v6 =	vadd.s32 v0, v8;
	v9 =	vand.u32 $0x1FC, v4;
	v5 =	vld [tilespmem:s24+$0xC0]  }
0x6c: {  	v4 =	vmov s31;
	v10 =	vadd.s32 v0, v9;
	v7 =	vld [tilespmem:s24+$0x0]  }
0x6d: {  	s26 =	simm.s32 $0x102;
	v12 =	vand.u32 $0x1FD, v4  }
0x6e: {  	v4 =	vmov s26;
	v13 =	vadd.s32 v0, v12;
	v11 =	vld [tilespmem:s24+$0x40]  }
0x6f: {  	v4 =	vand.u32 $0x1FE, v4  }
0x70: {  	v15 =	vadd.s32 v0, v4;
	v14 =	vld [tilespmem:s24+$0x80];
	[tilespmem:v6+s15+$0x0] =	vst.idx.msk $0xffff, v5  }
0x71: {  	v6 =	vadd.s32 v1, v8;
	[tilespmem:v10+s15+$0x0] =	vst.idx.msk $0xffff, v7;
	v5 =	vld [tilespmem:s24+$0xD0]  }
0x72: {  	v10 =	vadd.s32 v1, v9;
	v7 =	vld [tilespmem:s24+$0x10]  }
0x73: {  	[tilespmem:v13+s15+$0x0] =	vst.idx.msk $0xffff, v11  }
0x74: {  	v13 =	vadd.s32 v1, v12;
	v11 =	vld [tilespmem:s24+$0x50]  }
0x75: {  	[tilespmem:v15+s15+$0x0] =	vst.idx.msk $0xffff, v14  }
0x76: {  	v17 =	vadd.s32 v1, v4;
	v16 =	vld [tilespmem:s24+$0x90];
	[tilespmem:v6+s15+$0x0] =	vst.idx.msk $0xffff, v5  }
0x77: {  	v15 =	vadd.s32 v2, v8;
	[tilespmem:v10+s15+$0x0] =	vst.idx.msk $0xffff, v7;
	v14 =	vld [tilespmem:s24+$0xE0]  }
0x78: {  	v18 =	vadd.s32 v2, v9;
	s28 =	simm.s32 $0x107;
	v10 =	vld [tilespmem:s24+$0x20]  }
0x79: {  	s29 =	simm.s32 $0x104;
	v5 =	vmov s28;
	[tilespmem:v13+s15+$0x0] =	vst.idx.msk $0xffff, v11  }
0x7a: {  	s25 =	simm.s32 $0xA500;
	s30 =	simm.s32 $0x105;
	v6 =	vmov s29;
	v13 =	vadd.s32 v2, v12;
	v5 =	vand.u32 $0x1FF, v5;
	v11 =	vld [tilespmem:s24+$0x60]  }
0x7b: {  	v19 =	vld [tilespmem:s25+$0xC0];
	v7 =	vmov s30;
	[tilespmem:v17+s15+$0x0] =	vst.idx.msk $0xffff, v16;
	v6 =	vand.u32 $0x1FC, v6;
	v20 =	vadd.s32 v0, v5  }
0x7c: {  	s31 =	simm.s32 $0x106;
	v60 =	vld [tilespmem:s25+$0x0];
	v7 =	vand.u32 $0x1FD, v7;
	v61 =	vadd.s32 v0, v6;
	[tilespmem:v15+s15+$0x0] =	vst.idx.msk $0xffff, v14  }
0x7d: {  	v17 =	vadd.s32 v0, v7;
	v14 =	vmov s31;
	[tilespmem:v18+s15+$0x0] =	vst.idx.msk $0xffff, v10;
	v10 =	vld [tilespmem:s25+$0x40]  }
0x7e: {  	v16 =	vadd.s32 v3, v8;
	v15 =	vld [tilespmem:s24+$0xF0];
	v8 =	vand.u32 $0x1FE, v14  }
0x7f: {  	[tilespmem:v13+s15+$0x0] =	vst.idx.msk $0xffff, v11;
	v14 =	vld [tilespmem:s25+$0x80];
	v18 =	vadd.s32 v0, v8  }
0x80: {  	[tilespmem:v20+s15+$0x0] =	vst.idx.msk $0xffff, v19;
	v19 =	vld [tilespmem:s24+$0xA0];
	v20 =	vadd.s32 v2, v4  }
0x81: {  	v63 =	vadd.s32 v1, v5;
	[tilespmem:v61+s15+$0x0] =	vst.idx.msk $0xffff, v60;
	v62 =	vld [tilespmem:s25+$0xD0]  }
0x82: {  	v24 =	vadd.s32 v1, v6;
	v23 =	vld [tilespmem:s25+$0x10];
	[tilespmem:v17+s15+$0x0] =	vst.idx.msk $0xffff, v10  }
0x83: {  	v13 =	vld [tilespmem:s24+$0x30];
	[tilespmem:v16+s15+$0x0] =	vst.idx.msk $0xffff, v15;
	v16 =	vadd.s32 v3, v9  }
0x84: {  	v17 =	vld [tilespmem:s25+$0x50];
	[tilespmem:v18+s15+$0x0] =	vst.idx.msk $0xffff, v14;
	v18 =	vadd.s32 v1, v7  }
0x85: {  	[tilespmem:v20+s15+$0x0] =	vst.idx.msk $0xffff, v19;
	v15 =	vadd.s32 v1, v8;
	v11 =	vld [tilespmem:s25+$0x90]  }
0x86: {  	v10 =	vadd.s32 v3, v12;
	v9 =	vld [tilespmem:s24+$0x70];
	[tilespmem:v63+s15+$0x0] =	vst.idx.msk $0xffff, v62  }
0x87: {  	s26 =	simm.s32 $0x4;
	[tilespmem:v24+s15+$0x0] =	vst.idx.msk $0xffff, v23;
	v14 =	vadd.s32 v2, v5;
	v12 =	vld [tilespmem:s25+$0xE0]  }
.LBB2_5:
0x88: {  	s28 =	sadd.s32 $0x107, s26;
	v19 =	vld [tilespmem:s25+$0x20];
	v20 =	vadd.s32 v2, v6;
	[tilespmem:v16+s15+$0x0] =	vst.idx.msk $0xffff, v13;
	s29 =	smov.u32 s26;
	s26 =	sadd.s32 $0x4, s26  }
0x89: {  	s30 =	sadd.s32 $0x104, s29;
	v13 =	vmov s28;
	p1 =	slt.u32 s26, $0xFC;
	[tilespmem:v18+s15+$0x0] =	vst.idx.msk $0xffff, v17;
	v16 =	vld [tilespmem:s24+$0xB0];
	v17 =	vadd.s32 v3, v4;
	v4 =	vmov v8;
	s24 =	smov.u32 s25  }
0x8a: {  	v21 =	vadd.s32 v2, v7;
	s25 =	sadd.s32 $0x100, s25;
	v8 =	vmov s30;
	v13 =	vand.u32 $0x1FF, v13;
	v18 =	vld [tilespmem:s24+$0x60];
	[tilespmem:v15+s15+$0x0] =	vst.idx.msk $0xffff, v11  }
0x8b: {  	s28 =	sadd.s32 $0x105, s29;
	v11 =	vand.u32 $0x1FC, v8;
	v15 =	vld [tilespmem:s25+$0xC0];
	v22 =	vadd.s32 v0, v13;
	[tilespmem:v10+s15+$0x0] =	vst.idx.msk $0xffff, v9  }
0x8c: {  	v8 =	vmov s28;
	s28 =	sadd.s32 $0x106, s29;
	v9 =	vld [tilespmem:s25+$0x0];
	v10 =	vadd.s32 v0, v11;
	[tilespmem:v14+s15+$0x0] =	vst.idx.msk $0xffff, v12  }
0x8d: {  	v12 =	vand.u32 $0x1FD, v8;
	v8 =	vmov s28;
	[tilespmem:v20+s15+$0x0] =	vst.idx.msk $0xffff, v19;
	v14 =	vld [tilespmem:s24+$0xF0];
	v19 =	vadd.s32 v3, v5;
	v5 =	vmovc v13  }
0x8e: {  	v20 =	vadd.s32 v0, v12;
	v8 =	vand.u32 $0x1FE, v8;
	v13 =	vld [tilespmem:s25+$0x40];
	[tilespmem:v17+s15+$0x0] =	vst.idx.msk $0xffff, v16  }
0x8f: {  	v24 =	vadd.s32 v0, v8;
	v23 =	vld [tilespmem:s25+$0x80];
	[tilespmem:v21+s15+$0x0] =	vst.idx.msk $0xffff, v18  }
0x90: {  	[tilespmem:v22+s15+$0x0] =	vst.idx.msk $0xffff, v15;
	v21 =	vld [tilespmem:s24+$0xA0];
	v22 =	vadd.s32 v2, v4  }
0x91: {  	[tilespmem:v10+s15+$0x0] =	vst.idx.msk $0xffff, v9;
	v9 =	vld [tilespmem:s25+$0xD0];
	v10 =	vadd.s32 v1, v5  }
0x92: {  	v26 =	vadd.s32 v1, v11;
	v25 =	vld [tilespmem:s25+$0x10];
	[tilespmem:v19+s15+$0x0] =	vst.idx.msk $0xffff, v14  }
.Ltmp1:
0x93: {  	v16 =	vadd.s32 v3, v6;
	v6 =	vmov v11;
	[tilespmem:v20+s15+$0x0] =	vst.idx.msk $0xffff, v13;
	v13 =	vld [tilespmem:s24+$0x30];
	(pc) =	sbr.rel @p1 .LBB2_5-.Ltmp1, $4  }
0x94: {  	v18 =	vadd.s32 v1, v12;
	v17 =	vld [tilespmem:s25+$0x50];
	[tilespmem:v24+s15+$0x0] =	vst.idx.msk $0xffff, v23  }
0x95: {  	v15 =	vadd.s32 v1, v8;
	v11 =	vld [tilespmem:s25+$0x90];
	[tilespmem:v22+s15+$0x0] =	vst.idx.msk $0xffff, v21  }
0x96: {  	[tilespmem:v10+s15+$0x0] =	vst.idx.msk $0xffff, v9;
	v9 =	vld [tilespmem:s24+$0x70];
	v10 =	vadd.s32 v3, v7;
	v7 =	vmov v12  }
0x97: {  	v14 =	vadd.s32 v2, v5;
	[tilespmem:v26+s15+$0x0] =	vst.idx.msk $0xffff, v25;
	v12 =	vld [tilespmem:s25+$0xE0]  }
0x98: {  	_ =	sdelay $0x3  }
0x99: {  	v19 =	vld [tilespmem:s25+$0x20];
	v20 =	vadd.s32 v2, v6;
	[tilespmem:v18+s15+$0x0] =	vst.idx.msk $0xffff, v17  }
0x9a: {  	v55 =	vadd.s32 v2, v7;
	v17 =	vld [tilespmem:s25+$0x60];
	[tilespmem:v15+s15+$0x0] =	vst.idx.msk $0xffff, v11  }
0x9b: {  	v56 =	vadd.s32 v2, v8;
	v11 =	vld [tilespmem:s25+$0xA0]  }
0x9c: {  	[tilespmem:v16+s15+$0x0] =	vst.idx.msk $0xffff, v13  }
0x9d: {  	v57 =	vld [tilespmem:s24+$0xB0];
	v4 =	vadd.s32 v3, v4;
	[tilespmem:v14+s15+$0x0] =	vst.idx.msk $0xffff, v12  }
0x9e: {  	v5 =	vadd.s32 v3, v5;
	[tilespmem:v20+s15+$0x0] =	vst.idx.msk $0xffff, v19;
	v12 =	vld [tilespmem:s25+$0xF0]  }
0x9f: {  	v59 =	vadd.s32 v3, v6;
	v58 =	vld [tilespmem:s25+$0x30];
	[tilespmem:v55+s15+$0x0] =	vst.idx.msk $0xffff, v17  }
0xa0: {  	v61 =	vadd.s32 v3, v7;
	[tilespmem:v56+s15+$0x0] =	vst.idx.msk $0xffff, v11;
	v60 =	vld [tilespmem:s25+$0x70]  }
0xa1: {  	v63 =	vadd.s32 v3, v8;
	[tilespmem:v10+s15+$0x0] =	vst.idx.msk $0xffff, v9;
	v62 =	vld [tilespmem:s25+$0xB0]  }
0xa2: {  	[tilespmem:v4+s15+$0x0] =	vst.idx.msk $0xffff, v57  }
0xa3: {  	[tilespmem:v5+s15+$0x0] =	vst.idx.msk $0xffff, v12  }
0xa4: {  	[tilespmem:v59+s15+$0x0] =	vst.idx.msk $0xffff, v58  }
0xa5: {  	[tilespmem:v61+s15+$0x0] =	vst.idx.msk $0xffff, v60  }
0xa6: {  	s30 =	sadd.s32 $0x300, s22;
	s23 =	sor.u32 s6, s23;
	[tilespmem:v63+s15+$0x0] =	vst.idx.msk $0xffff, v62  }
0xa7: {  	[tilespmem:s13], [sflag:$0x2] =	stream.indirect.gather [hbm4b:s3+s9], $0x40, s30, s9, $0xb8;
	[tilespmem:$0x1E800] =	vst v63  }
0xa8: {  	s31 =	simm.s32 $0xE400;
	s24 =	sadd.s32 s4, s23;
	s25 =	simm.s32 $0x820  }
0xa9: {  	[hbm4b:s24+s2] =	stream.linear.scatter [tilespmem:s31], [sflag:$0x3], $0x200, $0x38;
	[tilespmem:$0x1E800] =	vst v63  }
.LBB2_7:
0xaa: {  	p1 =	sne.s32 s25, $0x1FFE0  }
.Ltmp2:
0xab: {  	_ = 	snop;
	(pc) =	sbr.rel @p1 .LBB2_7-.Ltmp2, $4  }
0xac: {  	_ = 	snop  }
0xad: {  	s26 =	sshra.s32 s25, $0x2;
	s25 =	sadd.s32 $0x820, s25  }
0xae: {  	s24 =	sadd.s32 $0x19000, s24;
	s26 =	sadd.s32 $0xE400, s26  }
0xaf: {  	[hbm4b:s24+s2] =	stream.linear.scatter [tilespmem:s26], [sflag:$0x3], $0x200, $0x38;
	[tilespmem:$0x1E800] =	vst v63  }
0xb0: {  	_ =	swait.ge [sflag:s14], $0x4000  }
0xb1: {  	[sflag:s14] =	ssyncset.done $0x0  }
0xb2: {  	s24 =	simm.s32 @!p0 $0x4;
	[sflag:s14] =	ssyncadd.s32 $0xFFFFC000  }
0xb3: {  	s25 =	simm.s32 $0x3;
	_ =	swait.ge @!p0 [sflag:s24], $0x8000  }
0xb4: {  	s31 =	simm.s32 $0x0;
	v4 =	vmov s25;
	[sflag:s24] =	ssyncset.done @!p0 $0x0  }
0xb5: {  	s26 =	simm.s32 $0x1;
	s25 =	simm.s32 $0x6480;
	v5 =	vand.u32 $0xFF, v4;
	v4 =	vmov s31;
	[sflag:s24] =	ssyncadd.s32 @!p0 $0xFFFF8000  }
0xb6: {  	v8 =	vadd.s32 v0, v5;
	v6 =	vand.u32 $0xFC, v4;
	v4 =	vmov s26;
	v7 =	vld [tilespmem:s25+$0x40]  }
0xb7: {  	v10 =	vadd.s32 v0, v6;
	v11 =	vand.u32 $0xFD, v4;
	v9 =	vld [tilespmem:s25+$0xFFFFFF80]  }
0xb8: {  	s30 =	simm.s32 $0x2;
	v12 =	vadd.s32 v0, v11;
	v4 =	vld [tilespmem:s25+$0xFFFFFFC0]  }
0xb9: {  	v13 =	vmov s30  }
0xba: {  	v13 =	vand.u32 $0xFE, v13  }
0xbb: {  	v15 =	vadd.s32 v0, v13;
	v14 =	vld [tilespmem:s25+$0x0];
	[tilespmem:v8+s17+$0x0] =	vst.idx.msk $0xffff, v7  }
0xbc: {  	v8 =	vadd.s32 v1, v5;
	[tilespmem:v10+s17+$0x0] =	vst.idx.msk $0xffff, v9;
	v7 =	vld [tilespmem:s25+$0x50]  }
0xbd: {  	v10 =	vadd.s32 v1, v6;
	[tilespmem:v12+s17+$0x0] =	vst.idx.msk $0xffff, v4;
	v9 =	vld [tilespmem:s25+$0xFFFFFF90]  }
0xbe: {  	v12 =	vadd.s32 v1, v11;
	v4 =	vld [tilespmem:s25+$0xFFFFFFD0];
	_ =	sdelay $0x1  }
0xbf: {  	[tilespmem:v15+s17+$0x0] =	vst.idx.msk $0xffff, v14  }
0xc0: {  	v16 =	vadd.s32 v1, v13;
	v15 =	vld [tilespmem:s25+$0x10];
	[tilespmem:v8+s17+$0x0] =	vst.idx.msk $0xffff, v7  }
0xc1: {  	s31 =	simm.s32 $0x7;
	v14 =	vadd.s32 v2, v5;
	[tilespmem:v10+s17+$0x0] =	vst.idx.msk $0xffff, v9;
	v7 =	vld [tilespmem:s25+$0x60]  }
0xc2: {  	v10 =	vadd.s32 v2, v6;
	v8 =	vmov s31;
	[tilespmem:v12+s17+$0x0] =	vst.idx.msk $0xffff, v4;
	v9 =	vld [tilespmem:s25+$0xFFFFFFA0]  }
0xc3: {  	v17 =	vadd.s32 v2, v11;
	s24 =	simm.s32 $0x6580;
	v8 =	vand.u32 $0xFF, v8;
	v12 =	vld [tilespmem:s25+$0xFFFFFFE0]  }
0xc4: {  	s26 =	simm.s32 $0x4;
	v18 =	vld [tilespmem:s24+$0x40];
	v19 =	vadd.s32 v0, v8  }
0xc5: {  	s30 =	simm.s32 $0x5;
	v4 =	vmov s26;
	[tilespmem:v16+s17+$0x0] =	vst.idx.msk $0xffff, v15  }
0xc6: {  	v22 =	vmov s30;
	v4 =	vand.u32 $0xFC, v4;
	[tilespmem:v14+s17+$0x0] =	vst.idx.msk $0xffff, v7  }
0xc7: {  	v20 =	vld [tilespmem:s24+$0xFFFFFF80];
	s31 =	simm.s32 $0x6;
	v21 =	vadd.s32 v0, v4;
	v7 =	vand.u32 $0xFD, v22;
	[tilespmem:v10+s17+$0x0] =	vst.idx.msk $0xffff, v9  }
0xc8: {  	v14 =	vmov s31;
	v9 =	vld [tilespmem:s24+$0xFFFFFFC0];
	[tilespmem:v17+s17+$0x0] =	vst.idx.msk $0xffff, v12;
	v10 =	vadd.s32 v0, v7  }
0xc9: {  	v16 =	vadd.s32 v3, v5;
	v12 =	vld [tilespmem:s25+$0x20];
	v5 =	vand.u32 $0xFE, v14;
	[tilespmem:v19+s17+$0x0] =	vst.idx.msk $0xffff, v18;
	v18 =	vadd.s32 v2, v13  }
0xca: {  	v14 =	vld [tilespmem:s24+$0x0];
	v63 =	vadd.s32 v0, v5  }
0xcb: {  	v15 =	vld [tilespmem:s25+$0x70]  }
0xcc: {  	[tilespmem:v21+s17+$0x0] =	vst.idx.msk $0xffff, v20;
	v20 =	vadd.s32 v1, v8;
	v19 =	vld [tilespmem:s24+$0x50]  }
0xcd: {  	v23 =	vadd.s32 v1, v4;
	v21 =	vld [tilespmem:s24+$0xFFFFFF90];
	[tilespmem:v10+s17+$0x0] =	vst.idx.msk $0xffff, v9  }
0xce: {  	v25 =	vadd.s32 v3, v11;
	v24 =	vld [tilespmem:s25+$0xFFFFFFF0];
	[tilespmem:v18+s17+$0x0] =	vst.idx.msk $0xffff, v12  }
0xcf: {  	v18 =	vadd.s32 v1, v7;
	v17 =	vld [tilespmem:s24+$0xFFFFFFD0];
	[tilespmem:v63+s17+$0x0] =	vst.idx.msk $0xffff, v14  }
0xd0: {  	[tilespmem:v16+s17+$0x0] =	vst.idx.msk $0xffff, v15;
	v16 =	vadd.s32 v1, v5;
	v15 =	vld [tilespmem:s24+$0x10]  }
0xd1: {  	[tilespmem:v20+s17+$0x0] =	vst.idx.msk $0xffff, v19;
	v11 =	vld [tilespmem:s25+$0x30];
	v14 =	vadd.s32 v3, v13  }
0xd2: {  	v12 =	vadd.s32 v2, v8;
	[tilespmem:v23+s17+$0x0] =	vst.idx.msk $0xffff, v21;
	v9 =	vld [tilespmem:s24+$0x60]  }
0xd3: {  	s29 =	simm.s32 $0xB;
	s28 =	simm.s32 $0xC;
	s26 =	simm.s32 $0x8;
	[tilespmem:v25+s17+$0x0] =	vst.idx.msk $0xffff, v24;
	v13 =	vadd.s32 v2, v4;
	v10 =	vld [tilespmem:s24+$0xFFFFFFA0]  }
.LBB2_9:
0xd4: {  	p0 =	slt.u32 s28, $0xFC;
	v19 =	vmov s29;
	[tilespmem:v18+s17+$0x0] =	vst.idx.msk $0xffff, v17;
	v17 =	vld [tilespmem:s25+$0xFFFFFFB0];
	v18 =	vadd.s32 v3, v6;
	v6 =	vmov v4;
	s25 =	smov.u32 s24  }
0xd5: {  	v4 =	vmov s26;
	v21 =	vadd.s32 v2, v7;
	s24 =	sadd.s32 $0x100, s24;
	v19 =	vand.u32 $0xFF, v19;
	v20 =	vld [tilespmem:s25+$0xFFFFFFE0];
	[tilespmem:v16+s17+$0x0] =	vst.idx.msk $0xffff, v15  }
0xd6: {  	s29 =	sadd.s32 $0x1, s26;
	v4 =	vand.u32 $0xFC, v4;
	v15 =	vld [tilespmem:s24+$0x40];
	v16 =	vadd.s32 v0, v19;
	[tilespmem:v14+s17+$0x0] =	vst.idx.msk $0xffff, v11  }
0xd7: {  	v22 =	vmov s29;
	s29 =	sadd.s32 $0x2, s26;
	s26 =	smov.u32 s28;
	v14 =	vadd.s32 v0, v4;
	v11 =	vld [tilespmem:s24+$0xFFFFFF80];
	[tilespmem:v12+s17+$0x0] =	vst.idx.msk $0xffff, v9  }
0xd8: {  	v9 =	vand.u32 $0xFD, v22;
	v12 =	vmov s29;
	[tilespmem:v13+s17+$0x0] =	vst.idx.msk $0xffff, v10;
	v10 =	vld [tilespmem:s25+$0x70];
	v13 =	vadd.s32 v3, v8;
	v8 =	vmovc v19  }
0xd9: {  	v22 =	vadd.s32 v0, v9;
	v12 =	vand.u32 $0xFE, v12;
	v19 =	vld [tilespmem:s24+$0xFFFFFFC0];
	[tilespmem:v18+s17+$0x0] =	vst.idx.msk $0xffff, v17  }
0xda: {  	v24 =	vadd.s32 v0, v12;
	v23 =	vld [tilespmem:s24+$0x0];
	[tilespmem:v21+s17+$0x0] =	vst.idx.msk $0xffff, v20  }
0xdb: {  	v21 =	vadd.s32 v2, v5;
	[tilespmem:v16+s17+$0x0] =	vst.idx.msk $0xffff, v15;
	v20 =	vld [tilespmem:s25+$0x20]  }
0xdc: {  	[tilespmem:v14+s17+$0x0] =	vst.idx.msk $0xffff, v11;
	v11 =	vld [tilespmem:s24+$0x50];
	v14 =	vadd.s32 v1, v8  }
0xdd: {  	v26 =	vadd.s32 v1, v4;
	v25 =	vld [tilespmem:s24+$0xFFFFFF90];
	[tilespmem:v13+s17+$0x0] =	vst.idx.msk $0xffff, v10  }
0xde: {  	[tilespmem:v22+s17+$0x0] =	vst.idx.msk $0xffff, v19;
	v19 =	vld [tilespmem:s25+$0xFFFFFFF0];
	v22 =	vadd.s32 v3, v7;
	v7 =	vmov v9  }
.Ltmp3:
0xdf: {  	v17 =	vld [tilespmem:s24+$0xFFFFFFD0];
	v18 =	vadd.s32 v1, v7;
	[tilespmem:v24+s17+$0x0] =	vst.idx.msk $0xffff, v23;
	(pc) =	sbr.rel @p0 .LBB2_9-.Ltmp3, $4  }
0xe0: {  	v16 =	vadd.s32 v1, v12;
	v15 =	vld [tilespmem:s24+$0x10];
	[tilespmem:v21+s17+$0x0] =	vst.idx.msk $0xffff, v20  }
0xe1: {  	[tilespmem:v14+s17+$0x0] =	vst.idx.msk $0xffff, v11;
	v11 =	vld [tilespmem:s25+$0x30];
	v14 =	vadd.s32 v3, v5;
	v5 =	vmov v12  }
0xe2: {  	v12 =	vadd.s32 v2, v8;
	[tilespmem:v26+s17+$0x0] =	vst.idx.msk $0xffff, v25;
	v9 =	vld [tilespmem:s24+$0x60]  }
0xe3: {  	s28 =	sadd.s32 $0x4, s28;
	s29 =	sadd.s32 $0x3, s26;
	v13 =	vadd.s32 v2, v4;
	v10 =	vld [tilespmem:s24+$0xFFFFFFA0];
	[tilespmem:v22+s17+$0x0] =	vst.idx.msk $0xffff, v19  }
0xe4: {  	_ =	sdelay $0x2  }
0xe5: {  	v19 =	vmov s29;
	s28 =	sadd.s32 $0x1, s26  }
0xe6: {  	[tilespmem:v18+s17+$0x0] =	vst.idx.msk $0xffff, v17;
	v17 =	vld [tilespmem:s25+$0xFFFFFFB0];
	v6 =	vadd.s32 v3, v6;
	s30 =	sadd.s32 $0x100, s24;
	s31 =	sadd.s32 $0x2, s26;
	v18 =	vand.u32 $0xFF, v19;
	v19 =	vmov s28  }
0xe7: {  	[tilespmem:v16+s17+$0x0] =	vst.idx.msk $0xffff, v15;
	v15 =	vld [tilespmem:s30+$0x40];
	v20 =	vmov s31;
	v16 =	vadd.s32 v0, v18;
	v19 =	vand.u32 $0xFD, v19  }
0xe8: {  	v21 =	vmov s26;
	[tilespmem:v14+s17+$0x0] =	vst.idx.msk $0xffff, v11;
	v11 =	vld [tilespmem:s30+$0xFFFFFFC0];
	v20 =	vand.u32 $0xFE, v20;
	v14 =	vadd.s32 v0, v19  }
0xe9: {  	v21 =	vand.u32 $0xFC, v21;
	[tilespmem:v12+s17+$0x0] =	vst.idx.msk $0xffff, v9;
	v9 =	vld [tilespmem:s30+$0x0];
	v12 =	vadd.s32 v0, v20  }
0xea: {  	v22 =	vld [tilespmem:s30+$0xFFFFFF80];
	[tilespmem:v13+s17+$0x0] =	vst.idx.msk $0xffff, v10;
	v10 =	vadd.s32 v0, v21  }
0xeb: {  	v13 =	vld [tilespmem:s24+$0xFFFFFFE0];
	[tilespmem:v6+s17+$0x0] =	vst.idx.msk $0xffff, v17;
	v6 =	vadd.s32 v2, v7  }
0xec: {  	v8 =	vadd.s32 v3, v8;
	v17 =	vld [tilespmem:s24+$0x70];
	[tilespmem:v16+s17+$0x0] =	vst.idx.msk $0xffff, v15  }
0xed: {  	v16 =	vadd.s32 v1, v18;
	v15 =	vld [tilespmem:s30+$0x50];
	[tilespmem:v14+s17+$0x0] =	vst.idx.msk $0xffff, v11  }
0xee: {  	v14 =	vadd.s32 v1, v19;
	[tilespmem:v12+s17+$0x0] =	vst.idx.msk $0xffff, v9;
	v11 =	vld [tilespmem:s30+$0xFFFFFFD0]  }
0xef: {  	[tilespmem:v10+s17+$0x0] =	vst.idx.msk $0xffff, v22;
	v9 =	vld [tilespmem:s30+$0x10];
	v10 =	vadd.s32 v1, v20  }
0xf0: {  	v12 =	vadd.s32 v1, v21;
	[tilespmem:v6+s17+$0x0] =	vst.idx.msk $0xffff, v13;
	v6 =	vld [tilespmem:s30+$0xFFFFFF90]  }
0xf1: {  	v59 =	vadd.s32 v2, v5;
	v13 =	vld [tilespmem:s24+$0x20];
	[tilespmem:v8+s17+$0x0] =	vst.idx.msk $0xffff, v17  }
0xf2: {  	v7 =	vadd.s32 v3, v7;
	v8 =	vld [tilespmem:s24+$0xFFFFFFF0];
	[tilespmem:v16+s17+$0x0] =	vst.idx.msk $0xffff, v15  }
0xf3: {  	v16 =	vadd.s32 v2, v18;
	v15 =	vld [tilespmem:s30+$0x60];
	[tilespmem:v14+s17+$0x0] =	vst.idx.msk $0xffff, v11  }
0xf4: {  	v14 =	vadd.s32 v2, v19;
	[tilespmem:v10+s17+$0x0] =	vst.idx.msk $0xffff, v9;
	v11 =	vld [tilespmem:s30+$0xFFFFFFE0]  }
0xf5: {  	v9 =	vadd.s32 v2, v20;
	[tilespmem:v12+s17+$0x0] =	vst.idx.msk $0xffff, v6;
	v6 =	vld [tilespmem:s30+$0x20]  }
0xf6: {  	[tilespmem:v59+s17+$0x0] =	vst.idx.msk $0xffff, v13;
	v12 =	vadd.s32 v2, v21;
	v10 =	vld [tilespmem:s30+$0xFFFFFFA0]  }
0xf7: {  	v5 =	vadd.s32 v3, v5;
	v13 =	vld [tilespmem:s24+$0x30];
	[tilespmem:v7+s17+$0x0] =	vst.idx.msk $0xffff, v8  }
0xf8: {  	v4 =	vadd.s32 v3, v4;
	v7 =	vld [tilespmem:s24+$0xFFFFFFB0];
	[tilespmem:v16+s17+$0x0] =	vst.idx.msk $0xffff, v15  }
0xf9: {  	v15 =	vadd.s32 v3, v18;
	v8 =	vld [tilespmem:s30+$0x70];
	[tilespmem:v14+s17+$0x0] =	vst.idx.msk $0xffff, v11  }
0xfa: {  	v14 =	vadd.s32 v3, v19;
	[tilespmem:v9+s17+$0x0] =	vst.idx.msk $0xffff, v6;
	v11 =	vld [tilespmem:s30+$0xFFFFFFF0]  }
0xfb: {  	v9 =	vadd.s32 v3, v20;
	[tilespmem:v12+s17+$0x0] =	vst.idx.msk $0xffff, v10;
	v6 =	vld [tilespmem:s30+$0x30]  }
0xfc: {  	[tilespmem:v5+s17+$0x0] =	vst.idx.msk $0xffff, v13;
	v10 =	vadd.s32 v3, v21;
	v5 =	vld [tilespmem:s30+$0xFFFFFFB0]  }
0xfd: {  	[tilespmem:v4+s17+$0x0] =	vst.idx.msk $0xffff, v7  }
0xfe: {  	[tilespmem:v15+s17+$0x0] =	vst.idx.msk $0xffff, v8  }
0xff: {  	[tilespmem:v14+s17+$0x0] =	vst.idx.msk $0xffff, v11  }
0x100: {  	p0 =	seq.s32 s21, $0x18;
	[tilespmem:v9+s17+$0x0] =	vst.idx.msk $0xffff, v6  }
0x101: {  	s25 =	simm.s32 @!p0 $0x100;
	s26 =	simm.s32 @!p0 $0x6400;
	s24 =	sadd.s32 @!p0 $0x400, s22;
	[tilespmem:v10+s17+$0x0] =	vst.idx.msk $0xffff, v5  }
0x102: {  	[tilespmem:s26], [sflag:$0x1] =	stream.indirect.gather @!p0 [hbm4b:s3+s25], $0x40, s24, s25, $0xb8;
	[tilespmem:$0x1E800] =	vst v63  }
0x103: {  	s29 =	simm.s32 $0x103;
	_ =	swait.ge [sflag:s16], $0x4000  }
0x104: {  	v4 =	vmov s29;
	s30 =	simm.s32 $0x100;
	[sflag:s16] =	ssyncset.done $0x0  }
0x105: {  	v8 =	vand.u32 $0x1FF, v4;
	v4 =	vmov s30;
	s24 =	simm.s32 $0xA400;
	[sflag:s16] =	ssyncadd.s32 $0xFFFFC000  }
0x106: {  	s31 =	simm.s32 $0x101;
	v6 =	vadd.s32 v0, v8;
	v9 =	vand.u32 $0x1FC, v4;
	v5 =	vld [tilespmem:s24+$0xC0]  }
0x107: {  	v4 =	vmov s31;
	v10 =	vadd.s32 v0, v9;
	v7 =	vld [tilespmem:s24+$0x0]  }
0x108: {  	v12 =	vand.u32 $0x1FD, v4;
	s26 =	simm.s32 $0x102  }
0x109: {  	v13 =	vadd.s32 v0, v12;
	v4 =	vmov s26;
	v11 =	vld [tilespmem:s24+$0x40]  }
0x10a: {  	v4 =	vand.u32 $0x1FE, v4  }
0x10b: {  	v15 =	vadd.s32 v0, v4;
	v14 =	vld [tilespmem:s24+$0x80];
	[tilespmem:v6+s17+$0x0] =	vst.idx.msk $0xffff, v5  }
0x10c: {  	v6 =	vadd.s32 v1, v8;
	[tilespmem:v10+s17+$0x0] =	vst.idx.msk $0xffff, v7;
	v5 =	vld [tilespmem:s24+$0xD0]  }
0x10d: {  	v10 =	vadd.s32 v1, v9;
	v7 =	vld [tilespmem:s24+$0x10]  }
0x10e: {  	[tilespmem:v13+s17+$0x0] =	vst.idx.msk $0xffff, v11  }
0x10f: {  	v13 =	vadd.s32 v1, v12;
	v11 =	vld [tilespmem:s24+$0x50]  }
0x110: {  	[tilespmem:v15+s17+$0x0] =	vst.idx.msk $0xffff, v14  }
0x111: {  	v17 =	vadd.s32 v1, v4;
	v16 =	vld [tilespmem:s24+$0x90];
	[tilespmem:v6+s17+$0x0] =	vst.idx.msk $0xffff, v5  }
0x112: {  	v15 =	vadd.s32 v2, v8;
	[tilespmem:v10+s17+$0x0] =	vst.idx.msk $0xffff, v7;
	v14 =	vld [tilespmem:s24+$0xE0]  }
0x113: {  	s28 =	simm.s32 $0x107;
	v18 =	vadd.s32 v2, v9;
	v10 =	vld [tilespmem:s24+$0x20]  }
0x114: {  	s29 =	simm.s32 $0x104;
	v5 =	vmov s28;
	[tilespmem:v13+s17+$0x0] =	vst.idx.msk $0xffff, v11  }
0x115: {  	s30 =	simm.s32 $0x105;
	s25 =	simm.s32 $0xA500;
	v6 =	vmov s29;
	v13 =	vadd.s32 v2, v12;
	v5 =	vand.u32 $0x1FF, v5;
	v11 =	vld [tilespmem:s24+$0x60]  }
0x116: {  	v19 =	vld [tilespmem:s25+$0xC0];
	v7 =	vmov s30;
	[tilespmem:v17+s17+$0x0] =	vst.idx.msk $0xffff, v16;
	v6 =	vand.u32 $0x1FC, v6;
	v20 =	vadd.s32 v0, v5  }
0x117: {  	s31 =	simm.s32 $0x106;
	v60 =	vld [tilespmem:s25+$0x0];
	v7 =	vand.u32 $0x1FD, v7;
	v61 =	vadd.s32 v0, v6;
	[tilespmem:v15+s17+$0x0] =	vst.idx.msk $0xffff, v14  }
0x118: {  	v17 =	vadd.s32 v0, v7;
	v14 =	vmov s31;
	[tilespmem:v18+s17+$0x0] =	vst.idx.msk $0xffff, v10;
	v10 =	vld [tilespmem:s25+$0x40]  }
0x119: {  	v16 =	vadd.s32 v3, v8;
	v15 =	vld [tilespmem:s24+$0xF0];
	v8 =	vand.u32 $0x1FE, v14  }
0x11a: {  	[tilespmem:v13+s17+$0x0] =	vst.idx.msk $0xffff, v11;
	v14 =	vld [tilespmem:s25+$0x80];
	v18 =	vadd.s32 v0, v8  }
0x11b: {  	[tilespmem:v20+s17+$0x0] =	vst.idx.msk $0xffff, v19;
	v19 =	vld [tilespmem:s24+$0xA0];
	v20 =	vadd.s32 v2, v4  }
0x11c: {  	v63 =	vadd.s32 v1, v5;
	[tilespmem:v61+s17+$0x0] =	vst.idx.msk $0xffff, v60;
	v62 =	vld [tilespmem:s25+$0xD0]  }
0x11d: {  	v24 =	vadd.s32 v1, v6;
	v23 =	vld [tilespmem:s25+$0x10];
	[tilespmem:v17+s17+$0x0] =	vst.idx.msk $0xffff, v10  }
0x11e: {  	v13 =	vld [tilespmem:s24+$0x30];
	[tilespmem:v16+s17+$0x0] =	vst.idx.msk $0xffff, v15;
	v16 =	vadd.s32 v3, v9  }
0x11f: {  	v17 =	vld [tilespmem:s25+$0x50];
	[tilespmem:v18+s17+$0x0] =	vst.idx.msk $0xffff, v14;
	v18 =	vadd.s32 v1, v7  }
0x120: {  	[tilespmem:v20+s17+$0x0] =	vst.idx.msk $0xffff, v19;
	v15 =	vadd.s32 v1, v8;
	v11 =	vld [tilespmem:s25+$0x90]  }
0x121: {  	v10 =	vadd.s32 v3, v12;
	v9 =	vld [tilespmem:s24+$0x70];
	[tilespmem:v63+s17+$0x0] =	vst.idx.msk $0xffff, v62  }
0x122: {  	s26 =	simm.s32 $0x4;
	[tilespmem:v24+s17+$0x0] =	vst.idx.msk $0xffff, v23;
	v14 =	vadd.s32 v2, v5;
	v12 =	vld [tilespmem:s25+$0xE0]  }
.LBB2_11:
0x123: {  	s28 =	sadd.s32 $0x107, s26;
	v19 =	vld [tilespmem:s25+$0x20];
	v20 =	vadd.s32 v2, v6;
	[tilespmem:v16+s17+$0x0] =	vst.idx.msk $0xffff, v13;
	s29 =	smov.u32 s26;
	s26 =	sadd.s32 $0x4, s26  }
0x124: {  	s30 =	sadd.s32 $0x104, s29;
	v13 =	vmov s28;
	p1 =	slt.u32 s26, $0xFC;
	[tilespmem:v18+s17+$0x0] =	vst.idx.msk $0xffff, v17;
	v16 =	vld [tilespmem:s24+$0xB0];
	v17 =	vadd.s32 v3, v4;
	v4 =	vmov v8;
	s24 =	smov.u32 s25  }
0x125: {  	v21 =	vadd.s32 v2, v7;
	s25 =	sadd.s32 $0x100, s25;
	v8 =	vmov s30;
	v13 =	vand.u32 $0x1FF, v13;
	v18 =	vld [tilespmem:s24+$0x60];
	[tilespmem:v15+s17+$0x0] =	vst.idx.msk $0xffff, v11  }
0x126: {  	s28 =	sadd.s32 $0x105, s29;
	v11 =	vand.u32 $0x1FC, v8;
	v15 =	vld [tilespmem:s25+$0xC0];
	v22 =	vadd.s32 v0, v13;
	[tilespmem:v10+s17+$0x0] =	vst.idx.msk $0xffff, v9  }
0x127: {  	v8 =	vmov s28;
	s28 =	sadd.s32 $0x106, s29;
	v9 =	vld [tilespmem:s25+$0x0];
	v10 =	vadd.s32 v0, v11;
	[tilespmem:v14+s17+$0x0] =	vst.idx.msk $0xffff, v12  }
0x128: {  	v12 =	vand.u32 $0x1FD, v8;
	v8 =	vmov s28;
	[tilespmem:v20+s17+$0x0] =	vst.idx.msk $0xffff, v19;
	v14 =	vld [tilespmem:s24+$0xF0];
	v19 =	vadd.s32 v3, v5;
	v5 =	vmovc v13  }
0x129: {  	v20 =	vadd.s32 v0, v12;
	v8 =	vand.u32 $0x1FE, v8;
	v13 =	vld [tilespmem:s25+$0x40];
	[tilespmem:v17+s17+$0x0] =	vst.idx.msk $0xffff, v16  }
0x12a: {  	v24 =	vadd.s32 v0, v8;
	v23 =	vld [tilespmem:s25+$0x80];
	[tilespmem:v21+s17+$0x0] =	vst.idx.msk $0xffff, v18  }
0x12b: {  	[tilespmem:v22+s17+$0x0] =	vst.idx.msk $0xffff, v15;
	v21 =	vld [tilespmem:s24+$0xA0];
	v22 =	vadd.s32 v2, v4  }
0x12c: {  	[tilespmem:v10+s17+$0x0] =	vst.idx.msk $0xffff, v9;
	v9 =	vld [tilespmem:s25+$0xD0];
	v10 =	vadd.s32 v1, v5  }
0x12d: {  	v26 =	vadd.s32 v1, v11;
	v25 =	vld [tilespmem:s25+$0x10];
	[tilespmem:v19+s17+$0x0] =	vst.idx.msk $0xffff, v14  }
.Ltmp4:
0x12e: {  	v16 =	vadd.s32 v3, v6;
	v6 =	vmov v11;
	[tilespmem:v20+s17+$0x0] =	vst.idx.msk $0xffff, v13;
	v13 =	vld [tilespmem:s24+$0x30];
	(pc) =	sbr.rel @p1 .LBB2_11-.Ltmp4, $4  }
0x12f: {  	v18 =	vadd.s32 v1, v12;
	v17 =	vld [tilespmem:s25+$0x50];
	[tilespmem:v24+s17+$0x0] =	vst.idx.msk $0xffff, v23  }
0x130: {  	v15 =	vadd.s32 v1, v8;
	v11 =	vld [tilespmem:s25+$0x90];
	[tilespmem:v22+s17+$0x0] =	vst.idx.msk $0xffff, v21  }
0x131: {  	[tilespmem:v10+s17+$0x0] =	vst.idx.msk $0xffff, v9;
	v9 =	vld [tilespmem:s24+$0x70];
	v10 =	vadd.s32 v3, v7;
	v7 =	vmov v12  }
0x132: {  	v14 =	vadd.s32 v2, v5;
	[tilespmem:v26+s17+$0x0] =	vst.idx.msk $0xffff, v25;
	v12 =	vld [tilespmem:s25+$0xE0]  }
0x133: {  	_ =	sdelay $0x3  }
0x134: {  	v19 =	vld [tilespmem:s25+$0x20];
	v20 =	vadd.s32 v2, v6;
	[tilespmem:v18+s17+$0x0] =	vst.idx.msk $0xffff, v17  }
0x135: {  	v55 =	vadd.s32 v2, v7;
	v17 =	vld [tilespmem:s25+$0x60];
	[tilespmem:v15+s17+$0x0] =	vst.idx.msk $0xffff, v11  }
0x136: {  	v56 =	vadd.s32 v2, v8;
	v11 =	vld [tilespmem:s25+$0xA0]  }
0x137: {  	[tilespmem:v16+s17+$0x0] =	vst.idx.msk $0xffff, v13  }
0x138: {  	v57 =	vld [tilespmem:s24+$0xB0];
	v4 =	vadd.s32 v3, v4;
	[tilespmem:v14+s17+$0x0] =	vst.idx.msk $0xffff, v12  }
0x139: {  	v5 =	vadd.s32 v3, v5;
	[tilespmem:v20+s17+$0x0] =	vst.idx.msk $0xffff, v19;
	v12 =	vld [tilespmem:s25+$0xF0]  }
0x13a: {  	v59 =	vadd.s32 v3, v6;
	v58 =	vld [tilespmem:s25+$0x30];
	[tilespmem:v55+s17+$0x0] =	vst.idx.msk $0xffff, v17  }
0x13b: {  	v61 =	vadd.s32 v3, v7;
	[tilespmem:v56+s17+$0x0] =	vst.idx.msk $0xffff, v11;
	v60 =	vld [tilespmem:s25+$0x70]  }
0x13c: {  	v63 =	vadd.s32 v3, v8;
	[tilespmem:v10+s17+$0x0] =	vst.idx.msk $0xffff, v9;
	v62 =	vld [tilespmem:s25+$0xB0]  }
0x13d: {  	[tilespmem:v4+s17+$0x0] =	vst.idx.msk $0xffff, v57  }
0x13e: {  	[tilespmem:v5+s17+$0x0] =	vst.idx.msk $0xffff, v12  }
0x13f: {  	[tilespmem:v59+s17+$0x0] =	vst.idx.msk $0xffff, v58  }
0x140: {  	[tilespmem:v61+s17+$0x0] =	vst.idx.msk $0xffff, v60  }
0x141: {  	s22 =	sadd.s32 @!p0 $0x500, s22;
	s24 =	simm.s32 @!p0 $0x100;
	s25 =	simm.s32 @!p0 $0xA400;
	[tilespmem:v63+s17+$0x0] =	vst.idx.msk $0xffff, v62  }
0x142: {  	[tilespmem:s25], [sflag:$0x2] =	stream.indirect.gather @!p0 [hbm4b:s3+s24], $0x40, s22, s24, $0xb8;
	[tilespmem:$0x1E800] =	vst v63  }
0x143: {  	s31 =	simm.s32 $0x16600;
	s22 =	sadd.s32 s23, s7;
	s23 =	simm.s32 $0x820  }
0x144: {  	[hbm4b:s22+s2] =	stream.linear.scatter [tilespmem:s31], [sflag:$0x4], $0x200, $0x38;
	[tilespmem:$0x1E800] =	vst v63  }
.LBB2_13:
0x145: {  	p0 =	sne.s32 s23, $0x1FFE0  }
.Ltmp5:
0x146: {  	_ = 	snop;
	(pc) =	sbr.rel @p0 .LBB2_13-.Ltmp5, $4  }
0x147: {  	_ = 	snop  }
0x148: {  	s24 =	sshra.s32 s23, $0x2;
	s23 =	sadd.s32 $0x820, s23  }
0x149: {  	s22 =	sadd.s32 $0x19000, s22;
	s24 =	sadd.s32 $0x16600, s24  }
0x14a: {  	[hbm4b:s22+s2] =	stream.linear.scatter [tilespmem:s24], [sflag:$0x4], $0x200, $0x38;
	[tilespmem:$0x1E800] =	vst v63  }
0x14b: {  	s21 =	sadd.s32 $0x1, s21  }
0x14c: {  	p0 =	sne.s32 s21, $0x19  }
.Ltmp6:
0x14d: {  	_ = 	snop;
	(pc) =	sbr.rel @p0 .LBB2_2-.Ltmp6, $1  }
0x14e: {  	_ =	sdelay $0x3  }
0x14f: {  	s20 =	sadd.s32 $0x1, s20  }
0x150: {  	_ =	swait.ge [sflag:s18], $0x8000;
	p0 =	sne.s32 s20, s8  }
.Ltmp7:
0x151: {  	[sflag:s18] =	ssyncset.done $0x0;
	(pc) =	sbr.rel @p0 .LBB2_1-.Ltmp7, $4  }
0x152: {  	[sflag:s18] =	ssyncadd.s32 $0xFFFF8000  }
0x153: {  	_ =	swait.ge [sflag:s19], $0x8000  }
0x154: {  	[sflag:s19] =	ssyncset.done $0x0  }
0x155: {  	[sflag:s19] =	ssyncadd.s32 $0xFFFF8000  }
0x156: {  	_ =	sfence.sel $0x180000  }
0x157: {  	[bflag:$0x0] =	sbarrier.arrive $0xFFFF  }
0x158: {  	p0 =	sne.s32 s1, $0x0;
	_ =	strace $0x90000047  }
0x159: {  	s0 =	sadd.s32 @!p0 $0x100000, s0;
	[bflag:$0x2] =	sbarrier.arrive $0xFFFF  }
0x15a: {  	[sflag:s0] =	ssyncadd.tile.s32 @!p0 $0x1;
	_ =	shalt  }
.Lfunc_end2:
_tile_overlayer_lowered:
.L_overlay_start_2:
0x15b: {  	(tag) =	ssettag $0x2  }
0x15c: {  	s0 =	rddreg [dreg:$0x0];
	s2 =	stileid.u32  }
0x15d: {  	s1 =	rddreg [dreg:$0x1];
	p0 =	sne.s32 s2, $0x0  }
0x15e: {  	s3 =	rddreg [dreg:$0x2];
	[bflag:$0x3] =	sbarrier.arrive $0xFFFF;
	s2 =	simm.s32 @!p0 $0x1C05  }
0x15f: {  	[timem:s3], [sflag:s2] =	dma.local @!p0 [hbm:s0], s1  }
0x160: {  	s0 =	simm.s32 @!p0 $0x5  }
0x161: {  	_ =	swait.ge @!p0 [sflag:s0], s1  }
0x162: {  	s1 =	ssub.s32 @!p0 $0x0, s1;
	[sflag:s0] =	ssyncset.done @!p0 $0x0  }
0x163: {  	[sflag:s0] =	ssyncadd.s32 @!p0 s1  }
0x164: {  	[bflag:$0x3] =	sbarrier.arrive $0xFFFF  }
0x165: {  	_ =	shalt  }

</sc_bundles>
